<compile_context>
chip_gen: v7x
topology: tpu7x:2x2x1
jax: 0.10.2.dev20260603
libtpu: 0.0.44.dev20260713+nightly
codegen_flags: <defaults>
</compile_context>

<pallas_src>
import functools

import jax
import jax.numpy as jnp
from jax import lax
from jax.experimental import pallas as pl
from jax.experimental.pallas import tpu as pltpu
from jax.experimental.pallas import tpu_sc as plsc

N = 10000
E = 320000
D = 128

NC = 2
NS = 16
NW = NC * NS
EPW = E // NW
RPS = 632
NP = RPS * NS
DEGW = 16

_mesh = plsc.VectorSubcoreMesh(core_axis_name="c", subcore_axis_name="s",
                               num_cores=NC, num_subcores=NS)


CD = 128
NCHUNK_DEG = 79
DEG_STG = 80


@functools.partial(
    pl.kernel,
    out_type=jax.ShapeDtypeStruct((NC * NP, DEGW), jnp.float32),
    mesh=_mesh,
    scratch_types=[
        pltpu.VMEM((DEG_STG, CD), jnp.int32),
        pltpu.VMEM((CD, DEGW), jnp.float32),
        pltpu.VMEM_SHARED((NP, DEGW), jnp.float32),
        pltpu.SemaphoreType.DMA,
    ],
)
def _deg_kernel(dstd_hbm, zeros_hbm, out_hbm, didx_all, ones_v, acc, ssem):
    c = lax.axis_index("c")
    s = lax.axis_index("s")
    w = c * NS + s

    def fill(r, _):
        ones_v[r, :] = jnp.ones((DEGW,), jnp.float32)
        return 0
    lax.fori_loop(0, CD, fill, 0)

    pltpu.sync_copy(dstd_hbm.at[w], didx_all)
    pltpu.sync_copy(zeros_hbm.at[pl.ds(0, RPS)], acc.at[pl.ds(s * RPS, RPS)])
    plsc.subcore_barrier()

    def fire(j, _):
        pltpu.async_copy(ones_v, acc.at[didx_all.at[j]], ssem, add=True)
        return 0
    lax.fori_loop(0, NCHUNK_DEG, fire, 0)

    def drain(j, _):
        pltpu.make_async_copy(ones_v, acc.at[didx_all.at[j]], ssem).wait()
        return 0
    lax.fori_loop(0, NCHUNK_DEG, drain, 0)

    plsc.subcore_barrier()
    pltpu.sync_copy(acc.at[pl.ds(s * RPS, RPS)],
                    out_hbm.at[pl.ds(c * NP + s * RPS, RPS)])


C = 80
NSLOT = 3
NCHUNK = 126
EPWP = NCHUNK * C


@functools.partial(
    pl.kernel,
    out_type=jax.ShapeDtypeStruct((NC * NP, D), jnp.float32),
    mesh=_mesh,
    scratch_types=(
        [pltpu.VMEM((C, D), jnp.float32) for _ in range(NSLOT)]
        + [pltpu.VMEM((C,), jnp.int32) for _ in range(2 * NSLOT)]
        + [pltpu.VMEM_SHARED((NP, D), jnp.float32)]
        + [pltpu.SemaphoreType.DMA for _ in range(3 * NSLOT)]
    ),
)
def _scatter_kernel(g_hbm, srcp_hbm, dstp_hbm, zeros_hbm, out_hbm, *scr):
    rows = scr[0:NSLOT]
    sidx = scr[NSLOT:2 * NSLOT]
    didx = scr[2 * NSLOT:3 * NSLOT]
    acc = scr[3 * NSLOT]
    gsem = scr[3 * NSLOT + 1:3 * NSLOT + 1 + NSLOT]
    ssem = scr[3 * NSLOT + 1 + NSLOT:3 * NSLOT + 1 + 2 * NSLOT]
    isem = scr[3 * NSLOT + 1 + 2 * NSLOT:3 * NSLOT + 1 + 3 * NSLOT]
    c = lax.axis_index("c")
    s = lax.axis_index("s")
    w = c * NS + s
    wbase = w * EPWP

    pltpu.sync_copy(zeros_hbm.at[pl.ds(0, RPS)], acc.at[pl.ds(s * RPS, RPS)])
    plsc.subcore_barrier()

    def fire_idx(j, b):
        base = wbase + j * C
        pltpu.async_copy(srcp_hbm.at[pl.ds(base, C)], sidx[b], isem[b])
        pltpu.async_copy(dstp_hbm.at[pl.ds(base, C)], didx[b], isem[b])

    def drain_idx(j, b):
        base = wbase + j * C
        pltpu.make_async_copy(srcp_hbm.at[pl.ds(base, C)], sidx[b],
                              isem[b]).wait()
        pltpu.make_async_copy(dstp_hbm.at[pl.ds(base, C)], didx[b],
                              isem[b]).wait()

    def fire_g(b):
        pltpu.async_copy(g_hbm.at[sidx[b]], rows[b], gsem[b])

    def drain_g(b):
        pltpu.make_async_copy(g_hbm.at[sidx[b]], rows[b],
                              gsem[b]).wait()

    def fire_s(b):
        pltpu.async_copy(rows[b], acc.at[didx[b]], ssem[b], add=True)

    def drain_s(b):
        pltpu.make_async_copy(rows[b], acc.at[didx[b]],
                              ssem[b]).wait()

    for b in range(NSLOT):
        fire_idx(b, b)
    for b in range(NSLOT):
        drain_idx(b, b)
        fire_g(b)

    def body(i, _):
        j = NSLOT * i
        drain_g(0)
        fire_s(0)
        drain_g(1)
        fire_s(1)
        drain_s(0)
        fire_idx(j + 3, 0)
        drain_g(2)
        fire_s(2)
        drain_s(1)
        fire_idx(j + 4, 1)
        drain_idx(j + 3, 0)
        fire_g(0)
        drain_s(2)
        fire_idx(j + 5, 2)
        drain_idx(j + 4, 1)
        fire_g(1)
        drain_idx(j + 5, 2)
        fire_g(2)
        return 0
    lax.fori_loop(0, NCHUNK // NSLOT - 1, body, 0)

    for b in range(NSLOT):
        drain_g(b)
        fire_s(b)
    for b in range(NSLOT):
        drain_s(b)

    plsc.subcore_barrier()
    pltpu.sync_copy(acc.at[pl.ds(s * RPS, RPS)],
                    out_hbm.at[pl.ds(c * NP + s * RPS, RPS)])


RB = 1000


def _dinv(degp_ref):
    deg = 1.0 + degp_ref[0, :, 0:1] + degp_ref[1, :, 0:1]
    return jnp.broadcast_to(lax.rsqrt(deg), (RB, D))


def _tc_a_body(x_ref, w1_ref, degp_ref, g_ref):
    h = jnp.dot(x_ref[...], w1_ref[...], preferred_element_type=jnp.float32)
    g_ref[...] = h * _dinv(degp_ref)


def _tc_b_body(p_ref, g1_ref, degp_ref, b1_ref, w2_ref, g2_ref):
    dinv = _dinv(degp_ref)
    z = dinv * (p_ref[0] + p_ref[1] + g1_ref[...]) + b1_ref[...]
    a = jnp.maximum(z, 0.0)
    h2 = jnp.dot(a, w2_ref[...], preferred_element_type=jnp.float32)
    g2_ref[...] = h2 * dinv


def _tc_c_body(q_ref, g2_ref, degp_ref, b2_ref, out_ref):
    out_ref[...] = (_dinv(degp_ref) * (q_ref[0] + q_ref[1] + g2_ref[...])
                    + b2_ref[...])


def kernel(x, edge_index, W1, b1, W2, b2):
    src = edge_index[0].astype(jnp.int32)
    dst = edge_index[1].astype(jnp.int32)
    pad = ((0, 0), (0, EPWP - EPW))
    srcp = jnp.pad(src.reshape(NW, EPW), pad).reshape(-1)
    dstp = jnp.pad(dst.reshape(NW, EPW), pad, constant_values=N).reshape(-1)
    dstd = jnp.pad(dst.reshape(NW, EPW),
                   ((0, 0), (0, DEG_STG * CD - EPW)),
                   constant_values=N).reshape(NW, DEG_STG, CD)
    zeros_wide = jnp.zeros((RPS, D), jnp.float32)
    zeros_deg = jnp.zeros((RPS, DEGW), jnp.float32)

    degp = _deg_kernel(dstd, zeros_deg).reshape(NC, NP, DEGW)

    grid = N // RB
    g1 = pl.pallas_call(
        _tc_a_body,
        grid=(grid,),
        in_specs=[
            pl.BlockSpec((RB, D), lambda i: (i, 0)),
            pl.BlockSpec((D, D), lambda i: (0, 0)),
            pl.BlockSpec((NC, RB, DEGW), lambda i: (0, i, 0)),
        ],
        out_specs=pl.BlockSpec((RB, D), lambda i: (i, 0)),
        out_shape=jax.ShapeDtypeStruct((N, D), jnp.float32),
    )(x, W1, degp)

    p = _scatter_kernel(g1, srcp, dstp, zeros_wide).reshape(NC, NP, D)

    g2 = pl.pallas_call(
        _tc_b_body,
        grid=(grid,),
        in_specs=[
            pl.BlockSpec((NC, RB, D), lambda i: (0, i, 0)),
            pl.BlockSpec((RB, D), lambda i: (i, 0)),
            pl.BlockSpec((NC, RB, DEGW), lambda i: (0, i, 0)),
            pl.BlockSpec((1, D), lambda i: (0, 0)),
            pl.BlockSpec((D, D), lambda i: (0, 0)),
        ],
        out_specs=pl.BlockSpec((RB, D), lambda i: (i, 0)),
        out_shape=jax.ShapeDtypeStruct((N, D), jnp.float32),
    )(p, g1, degp, b1.reshape(1, D), W2)

    q = _scatter_kernel(g2, srcp, dstp, zeros_wide).reshape(NC, NP, D)

    out = pl.pallas_call(
        _tc_c_body,
        grid=(grid,),
        in_specs=[
            pl.BlockSpec((NC, RB, D), lambda i: (0, i, 0)),
            pl.BlockSpec((RB, D), lambda i: (i, 0)),
            pl.BlockSpec((NC, RB, DEGW), lambda i: (0, i, 0)),
            pl.BlockSpec((1, D), lambda i: (0, 0)),
        ],
        out_specs=pl.BlockSpec((RB, D), lambda i: (i, 0)),
        out_shape=jax.ShapeDtypeStruct((N, D), jnp.float32),
    )(q, g2, degp, b2.reshape(1, D))

    return out

# --- scband reference (transcript-rebuilt; emitter-appended) ---
"""Pipeline reference for scband-simple-gcn-20907900797162 (READ-ONLY COPY).

The authoritative reference and input builder live on the scoring server;
editing this copy changes nothing except your own understanding.
"""

import jax, jax.numpy as jnp
import numpy as np

N_NODES = 10000
N_EDGES = 320000
D_IN = 128
D_HID = 128
D_OUT = 128


def gcn_conv(x, edge_index, W, b):
    num_nodes = x.shape[0]
    src = edge_index[0]
    dst = edge_index[1]
    # add self loops (GCNConv default add_self_loops=True)
    loop = jnp.arange(num_nodes, dtype=src.dtype)
    src = jnp.concatenate([src, loop])
    dst = jnp.concatenate([dst, loop])
    ew = jnp.ones(src.shape[0], dtype=x.dtype)
    # symmetric normalization (gcn_norm): deg over destination nodes
    deg = jnp.zeros(num_nodes, dtype=x.dtype).at[dst].add(ew)
    dinv = 1.0 / jnp.sqrt(deg)
    dinv = jnp.where(jnp.isinf(dinv), 0.0, dinv)
    norm = dinv[src] * ew * dinv[dst]
    # linear transform then propagate (scatter-add over dst)
    h = x @ W
    msg = h[src] * norm[:, None]
    out = jax.ops.segment_sum(msg, dst, num_segments=num_nodes)
    return out + b


def setup_inputs(seed: int = 0) -> dict:
    key = jax.random.key(seed)
    k1, k2, k3, k4, k5 = jax.random.split(key, 5)
    x = jax.random.normal(k1, (N_NODES, D_IN), dtype=jnp.float32)
    edge_index = jax.random.randint(k2, (2, N_EDGES), 0, N_NODES, dtype=jnp.int64)
    # glorot-style init for GCNConv linear weights (shape [in, out] for x @ W)
    s1 = float(np.sqrt(6.0 / (D_IN + D_HID)))
    W1 = jax.random.uniform(k3, (D_IN, D_HID), dtype=jnp.float32, minval=-s1, maxval=s1)
    b1 = jnp.zeros((D_HID,), dtype=jnp.float32)
    s2 = float(np.sqrt(6.0 / (D_HID + D_OUT)))
    W2 = jax.random.uniform(k4, (D_HID, D_OUT), dtype=jnp.float32, minval=-s2, maxval=s2)
    b2 = jnp.zeros((D_OUT,), dtype=jnp.float32)
    return {"x": x, "edge_index": edge_index, "W1": W1, "b1": b1, "W2": W2, "b2": b2}


def reference(x, edge_index, W1, b1, W2, b2):
    h = gcn_conv(x, edge_index, W1, b1)
    h = jax.nn.relu(h)
    out = gcn_conv(h, edge_index, W2, b2)
    return out

if __name__ == "__main__":
    import jax
    _d = setup_inputs()
    print(jax.jit(kernel)(*tuple(_d.values())))

</pallas_src>

<mosaic_0001>
#map = affine_map<(d0, d1) -> (0, 0)>
#map1 = affine_map<(d0, d1) -> (0)>
module attributes {stable_mosaic.version = 14 : i64} {
  func.func @_scatter_kernel(%arg0: i32, %arg1: i32, %arg2: memref<10000x128xf32, #tpu.memory_space<hbm>>, %arg3: memref<322560xi32, #tpu.memory_space<hbm>>, %arg4: memref<322560xi32, #tpu.memory_space<hbm>>, %arg5: memref<632x128xf32, #tpu.memory_space<hbm>>, %arg6: memref<20224x128xf32, #tpu.memory_space<hbm>>, %arg7: memref<80x128xf32, #tpu.memory_space<vmem>>, %arg8: memref<80x128xf32, #tpu.memory_space<vmem>>, %arg9: memref<80x128xf32, #tpu.memory_space<vmem>>, %arg10: memref<80xi32, #tpu.memory_space<vmem>>, %arg11: memref<80xi32, #tpu.memory_space<vmem>>, %arg12: memref<80xi32, #tpu.memory_space<vmem>>, %arg13: memref<80xi32, #tpu.memory_space<vmem>>, %arg14: memref<80xi32, #tpu.memory_space<vmem>>, %arg15: memref<80xi32, #tpu.memory_space<vmem>>, %arg16: memref<10112x128xf32, #tpu.memory_space<vmem_shared>>, %arg17: memref<!tpu.dma_semaphore, #tpu.memory_space<semaphore_mem>>, %arg18: memref<!tpu.dma_semaphore, #tpu.memory_space<semaphore_mem>>, %arg19: memref<!tpu.dma_semaphore, #tpu.memory_space<semaphore_mem>>, %arg20: memref<!tpu.dma_semaphore, #tpu.memory_space<semaphore_mem>>, %arg21: memref<!tpu.dma_semaphore, #tpu.memory_space<semaphore_mem>>, %arg22: memref<!tpu.dma_semaphore, #tpu.memory_space<semaphore_mem>>, %arg23: memref<!tpu.dma_semaphore, #tpu.memory_space<semaphore_mem>>, %arg24: memref<!tpu.dma_semaphore, #tpu.memory_space<semaphore_mem>>, %arg25: memref<!tpu.dma_semaphore, #tpu.memory_space<semaphore_mem>>) attributes {dimension_semantics = [#tpu.dimension_semantics<core_parallel>, #tpu.dimension_semantics<subcore_parallel>], iteration_bounds = array<i64: 2, 16>, scalar_prefetch = 0 : i64, scratch_operands = 19 : i64, tpu.core_type = #tpu.core_type<sc_vector_subcore>, window_params = [{transform_indices = #map}, {transform_indices = #map1}, {transform_indices = #map1}, {transform_indices = #map}, {transform_indices = #map}]} {
    %mul3A = arith.constant 16 : i32
    %mul3A_0 = arith.muli %arg0, %mul3A : i32
    %add3A = arith.addi %mul3A_0, %arg1 : i32
    %mul3A_1 = arith.constant 10080 : i32
    %mul3A_2 = arith.muli %add3A, %mul3A_1 : i32
    %mul3A_3 = arith.constant 632 : i32
    %mul3A_4 = arith.muli %arg1, %mul3A_3 : i32
    "tpu.region"() ({
      %run_scoped3A = tpu.sem_alloc : memref<!tpu.dma_semaphore, #tpu.memory_space<semaphore_mem>>
      %dma_start3A_89 = arith.constant 0 : i32
      %dma_start3A_90 = tpu.memref_slice %arg16[%mul3A_4, %dma_start3A_89] : memref<10112x128xf32, #tpu.memory_space<vmem_shared>> -> memref<632x128xf32, #tpu.memory_space<vmem_shared>>
      %dma_start3A_91 = arith.constant 0 : i32
      %dma_start3A_92 = arith.constant 0 : i32
      %dma_start3A_93 = tpu.memref_slice %arg5[%dma_start3A_91, %dma_start3A_92] : memref<632x128xf32, #tpu.memory_space<hbm>> -> memref<632x128xf32, #tpu.memory_space<hbm>>
      tpu.enqueue_dma source(%dma_start3A_93 : memref<632x128xf32, #tpu.memory_space<hbm>>) target(%dma_start3A_90 : memref<632x128xf32, #tpu.memory_space<vmem_shared>>) target_semaphore(%run_scoped3A : memref<!tpu.dma_semaphore, #tpu.memory_space<semaphore_mem>>)
      %dma_wait3A_94 = arith.constant 0 : i32
      %dma_wait3A_95 = tpu.memref_slice %arg16[%mul3A_4, %dma_wait3A_94] : memref<10112x128xf32, #tpu.memory_space<vmem_shared>> -> memref<632x128xf32, #tpu.memory_space<vmem_shared>>
      %dma_wait3A_96 = arith.constant 0 : i32
      %dma_wait3A_97 = arith.constant 0 : i32
      %dma_wait3A_98 = tpu.memref_slice %arg5[%dma_wait3A_96, %dma_wait3A_97] : memref<632x128xf32, #tpu.memory_space<hbm>> -> memref<632x128xf32, #tpu.memory_space<hbm>>
      tpu.wait_dma2 semaphore(%run_scoped3A : memref<!tpu.dma_semaphore, #tpu.memory_space<semaphore_mem>>) src(%dma_wait3A_98 : memref<632x128xf32, #tpu.memory_space<hbm>>) dst(%dma_wait3A_95 : memref<632x128xf32, #tpu.memory_space<vmem_shared>>)
      tpu.yield
    }) : () -> ()
    %barrier3A = arith.constant 0 : index
    tpu.barrier barrier_id(%barrier3A)
    %add3A_5 = arith.constant 0 : i32
    %add3A_6 = arith.addi %mul3A_2, %add3A_5 : i32
    %dma_start3A = tpu.memref_slice %arg3[%add3A_6] : memref<322560xi32, #tpu.memory_space<hbm>> -> memref<80xi32, #tpu.memory_space<hbm>>
    %dma_start3A_7 = tpu.memref_slice %arg3[%add3A_6] : memref<322560xi32, #tpu.memory_space<hbm>> -> memref<80xi32, #tpu.memory_space<hbm>>
    tpu.enqueue_dma source(%dma_start3A_7 : memref<80xi32, #tpu.memory_space<hbm>>) target(%arg10 : memref<80xi32, #tpu.memory_space<vmem>>) target_semaphore(%arg23 : memref<!tpu.dma_semaphore, #tpu.memory_space<semaphore_mem>>)
    %dma_start3A_8 = tpu.memref_slice %arg4[%add3A_6] : memref<322560xi32, #tpu.memory_space<hbm>> -> memref<80xi32, #tpu.memory_space<hbm>>
    %dma_start3A_9 = tpu.memref_slice %arg4[%add3A_6] : memref<322560xi32, #tpu.memory_space<hbm>> -> memref<80xi32, #tpu.memory_space<hbm>>
    tpu.enqueue_dma source(%dma_start3A_9 : memref<80xi32, #tpu.memory_space<hbm>>) target(%arg13 : memref<80xi32, #tpu.memory_space<vmem>>) target_semaphore(%arg23 : memref<!tpu.dma_semaphore, #tpu.memory_space<semaphore_mem>>)
    %add3A_10 = arith.constant 80 : i32
    %add3A_11 = arith.addi %mul3A_2, %add3A_10 : i32
    %dma_start3A_12 = tpu.memref_slice %arg3[%add3A_11] : memref<322560xi32, #tpu.memory_space<hbm>> -> memref<80xi32, #tpu.memory_space<hbm>>
    %dma_start3A_13 = tpu.memref_slice %arg3[%add3A_11] : memref<322560xi32, #tpu.memory_space<hbm>> -> memref<80xi32, #tpu.memory_space<hbm>>
    tpu.enqueue_dma source(%dma_start3A_13 : memref<80xi32, #tpu.memory_space<hbm>>) target(%arg11 : memref<80xi32, #tpu.memory_space<vmem>>) target_semaphore(%arg24 : memref<!tpu.dma_semaphore, #tpu.memory_space<semaphore_mem>>)
    %dma_start3A_14 = tpu.memref_slice %arg4[%add3A_11] : memref<322560xi32, #tpu.memory_space<hbm>> -> memref<80xi32, #tpu.memory_space<hbm>>
    %dma_start3A_15 = tpu.memref_slice %arg4[%add3A_11] : memref<322560xi32, #tpu.memory_space<hbm>> -> memref<80xi32, #tpu.memory_space<hbm>>
    tpu.enqueue_dma source(%dma_start3A_15 : memref<80xi32, #tpu.memory_space<hbm>>) target(%arg14 : memref<80xi32, #tpu.memory_space<vmem>>) target_semaphore(%arg24 : memref<!tpu.dma_semaphore, #tpu.memory_space<semaphore_mem>>)
    %add3A_16 = arith.constant 160 : i32
    %add3A_17 = arith.addi %mul3A_2, %add3A_16 : i32
    %dma_start3A_18 = tpu.memref_slice %arg3[%add3A_17] : memref<322560xi32, #tpu.memory_space<hbm>> -> memref<80xi32, #tpu.memory_space<hbm>>
    %dma_start3A_19 = tpu.memref_slice %arg3[%add3A_17] : memref<322560xi32, #tpu.memory_space<hbm>> -> memref<80xi32, #tpu.memory_space<hbm>>
    tpu.enqueue_dma source(%dma_start3A_19 : memref<80xi32, #tpu.memory_space<hbm>>) target(%arg12 : memref<80xi32, #tpu.memory_space<vmem>>) target_semaphore(%arg25 : memref<!tpu.dma_semaphore, #tpu.memory_space<semaphore_mem>>)
    %dma_start3A_20 = tpu.memref_slice %arg4[%add3A_17] : memref<322560xi32, #tpu.memory_space<hbm>> -> memref<80xi32, #tpu.memory_space<hbm>>
    %dma_start3A_21 = tpu.memref_slice %arg4[%add3A_17] : memref<322560xi32, #tpu.memory_space<hbm>> -> memref<80xi32, #tpu.memory_space<hbm>>
    tpu.enqueue_dma source(%dma_start3A_21 : memref<80xi32, #tpu.memory_space<hbm>>) target(%arg15 : memref<80xi32, #tpu.memory_space<vmem>>) target_semaphore(%arg25 : memref<!tpu.dma_semaphore, #tpu.memory_space<semaphore_mem>>)
    %add3A_22 = arith.constant 0 : i32
    %add3A_23 = arith.addi %mul3A_2, %add3A_22 : i32
    %dma_wait3A = tpu.memref_slice %arg3[%add3A_23] : memref<322560xi32, #tpu.memory_space<hbm>> -> memref<80xi32, #tpu.memory_space<hbm>>
    %dma_wait3A_24 = tpu.memref_slice %arg3[%add3A_23] : memref<322560xi32, #tpu.memory_space<hbm>> -> memref<80xi32, #tpu.memory_space<hbm>>
    tpu.wait_dma2 semaphore(%arg23 : memref<!tpu.dma_semaphore, #tpu.memory_space<semaphore_mem>>) src(%dma_wait3A_24 : memref<80xi32, #tpu.memory_space<hbm>>) dst(%arg10 : memref<80xi32, #tpu.memory_space<vmem>>)
    %dma_wait3A_25 = tpu.memref_slice %arg4[%add3A_23] : memref<322560xi32, #tpu.memory_space<hbm>> -> memref<80xi32, #tpu.memory_space<hbm>>
    %dma_wait3A_26 = tpu.memref_slice %arg4[%add3A_23] : memref<322560xi32, #tpu.memory_space<hbm>> -> memref<80xi32, #tpu.memory_space<hbm>>
    tpu.wait_dma2 semaphore(%arg23 : memref<!tpu.dma_semaphore, #tpu.memory_space<semaphore_mem>>) src(%dma_wait3A_26 : memref<80xi32, #tpu.memory_space<hbm>>) dst(%arg13 : memref<80xi32, #tpu.memory_space<vmem>>)
    %dma_start3A_27 = arith.constant 0 : i32
    %dma_start3A_28 = arith.constant 0 : i32
    %dma_start3A_29 = tpu.memref_slice %arg2[%dma_start3A_27, %dma_start3A_28] : memref<10000x128xf32, #tpu.memory_space<hbm>> -> memref<10000x128xf32, #tpu.memory_space<hbm>>
    tpu.enqueue_indirect_dma source(%dma_start3A_29 : memref<10000x128xf32, #tpu.memory_space<hbm>>) target(%arg7 : memref<80x128xf32, #tpu.memory_space<vmem>>) offsets(%arg10 : memref<80xi32, #tpu.memory_space<vmem>>) semaphore(%arg17 : memref<!tpu.dma_semaphore, #tpu.memory_space<semaphore_mem>>)
    %add3A_30 = arith.constant 80 : i32
    %add3A_31 = arith.addi %mul3A_2, %add3A_30 : i32
    %dma_wait3A_32 = tpu.memref_slice %arg3[%add3A_31] : memref<322560xi32, #tpu.memory_space<hbm>> -> memref<80xi32, #tpu.memory_space<hbm>>
    %dma_wait3A_33 = tpu.memref_slice %arg3[%add3A_31] : memref<322560xi32, #tpu.memory_space<hbm>> -> memref<80xi32, #tpu.memory_space<hbm>>
    tpu.wait_dma2 semaphore(%arg24 : memref<!tpu.dma_semaphore, #tpu.memory_space<semaphore_mem>>) src(%dma_wait3A_33 : memref<80xi32, #tpu.memory_space<hbm>>) dst(%arg11 : memref<80xi32, #tpu.memory_space<vmem>>)
    %dma_wait3A_34 = tpu.memref_slice %arg4[%add3A_31] : memref<322560xi32, #tpu.memory_space<hbm>> -> memref<80xi32, #tpu.memory_space<hbm>>
    %dma_wait3A_35 = tpu.memref_slice %arg4[%add3A_31] : memref<322560xi32, #tpu.memory_space<hbm>> -> memref<80xi32, #tpu.memory_space<hbm>>
    tpu.wait_dma2 semaphore(%arg24 : memref<!tpu.dma_semaphore, #tpu.memory_space<semaphore_mem>>) src(%dma_wait3A_35 : memref<80xi32, #tpu.memory_space<hbm>>) dst(%arg14 : memref<80xi32, #tpu.memory_space<vmem>>)
    %dma_start3A_36 = arith.constant 0 : i32
    %dma_start3A_37 = arith.constant 0 : i32
    %dma_start3A_38 = tpu.memref_slice %arg2[%dma_start3A_36, %dma_start3A_37] : memref<10000x128xf32, #tpu.memory_space<hbm>> -> memref<10000x128xf32, #tpu.memory_space<hbm>>
    tpu.enqueue_indirect_dma source(%dma_start3A_38 : memref<10000x128xf32, #tpu.memory_space<hbm>>) target(%arg8 : memref<80x128xf32, #tpu.memory_space<vmem>>) offsets(%arg11 : memref<80xi32, #tpu.memory_space<vmem>>) semaphore(%arg18 : memref<!tpu.dma_semaphore, #tpu.memory_space<semaphore_mem>>)
    %add3A_39 = arith.constant 160 : i32
    %add3A_40 = arith.addi %mul3A_2, %add3A_39 : i32
    %dma_wait3A_41 = tpu.memref_slice %arg3[%add3A_40] : memref<322560xi32, #tpu.memory_space<hbm>> -> memref<80xi32, #tpu.memory_space<hbm>>
    %dma_wait3A_42 = tpu.memref_slice %arg3[%add3A_40] : memref<322560xi32, #tpu.memory_space<hbm>> -> memref<80xi32, #tpu.memory_space<hbm>>
    tpu.wait_dma2 semaphore(%arg25 : memref<!tpu.dma_semaphore, #tpu.memory_space<semaphore_mem>>) src(%dma_wait3A_42 : memref<80xi32, #tpu.memory_space<hbm>>) dst(%arg12 : memref<80xi32, #tpu.memory_space<vmem>>)
    %dma_wait3A_43 = tpu.memref_slice %arg4[%add3A_40] : memref<322560xi32, #tpu.memory_space<hbm>> -> memref<80xi32, #tpu.memory_space<hbm>>
    %dma_wait3A_44 = tpu.memref_slice %arg4[%add3A_40] : memref<322560xi32, #tpu.memory_space<hbm>> -> memref<80xi32, #tpu.memory_space<hbm>>
    tpu.wait_dma2 semaphore(%arg25 : memref<!tpu.dma_semaphore, #tpu.memory_space<semaphore_mem>>) src(%dma_wait3A_44 : memref<80xi32, #tpu.memory_space<hbm>>) dst(%arg15 : memref<80xi32, #tpu.memory_space<vmem>>)
    %dma_start3A_45 = arith.constant 0 : i32
    %dma_start3A_46 = arith.constant 0 : i32
    %dma_start3A_47 = tpu.memref_slice %arg2[%dma_start3A_45, %dma_start3A_46] : memref<10000x128xf32, #tpu.memory_space<hbm>> -> memref<10000x128xf32, #tpu.memory_space<hbm>>
    tpu.enqueue_indirect_dma source(%dma_start3A_47 : memref<10000x128xf32, #tpu.memory_space<hbm>>) target(%arg9 : memref<80x128xf32, #tpu.memory_space<vmem>>) offsets(%arg12 : memref<80xi32, #tpu.memory_space<vmem>>) semaphore(%arg19 : memref<!tpu.dma_semaphore, #tpu.memory_space<semaphore_mem>>)
    %scan3A = arith.constant 0 : i32
    %scan3A_48 = arith.constant 0 : i32
    %scan3A_49 = arith.constant 41 : i32
    %scan3A_50 = arith.addi %scan3A_48, %scan3A_49 : i32
    %scan3A_51 = arith.constant 1 : i32
    %scan3A_52 = scf.for %scan3A_89 = %scan3A_48 to %scan3A_50 step %scan3A_51 iter_args(%scan3A_90 = %scan3A) -> (i32)  : i32 {
      %mul3A_91 = arith.constant 3 : i32
      %mul3A_92 = arith.muli %mul3A_91, %scan3A_89 : i32
      %dma_wait3A_93 = arith.constant 0 : i32
      %dma_wait3A_94 = arith.constant 0 : i32
      %dma_wait3A_95 = tpu.memref_slice %arg2[%dma_wait3A_93, %dma_wait3A_94] : memref<10000x128xf32, #tpu.memory_space<hbm>> -> memref<10000x128xf32, #tpu.memory_space<hbm>>
      tpu.wait_indirect_dma semaphore(%arg17 : memref<!tpu.dma_semaphore, #tpu.memory_space<semaphore_mem>>) src(%dma_wait3A_95 : memref<10000x128xf32, #tpu.memory_space<hbm>>) dst(%arg7 : memref<80x128xf32, #tpu.memory_space<vmem>>)
      %dma_start3A_96 = arith.constant 0 : i32
      %dma_start3A_97 = arith.constant 0 : i32
      %dma_start3A_98 = tpu.memref_slice %arg16[%dma_start3A_96, %dma_start3A_97] : memref<10112x128xf32, #tpu.memory_space<vmem_shared>> -> memref<10112x128xf32, #tpu.memory_space<vmem_shared>>
      tpu.enqueue_indirect_dma source(%arg7 : memref<80x128xf32, #tpu.memory_space<vmem>>) target(%dma_start3A_98 : memref<10112x128xf32, #tpu.memory_space<vmem_shared>>) offsets(%arg13 : memref<80xi32, #tpu.memory_space<vmem>>) semaphore(%arg20 : memref<!tpu.dma_semaphore, #tpu.memory_space<semaphore_mem>>) {add = true}
      %dma_wait3A_99 = arith.constant 0 : i32
      %dma_wait3A_100 = arith.constant 0 : i32
      %dma_wait3A_101 = tpu.memref_slice %arg2[%dma_wait3A_99, %dma_wait3A_100] : memref<10000x128xf32, #tpu.memory_space<hbm>> -> memref<10000x128xf32, #tpu.memory_space<hbm>>
      tpu.wait_indirect_dma semaphore(%arg18 : memref<!tpu.dma_semaphore, #tpu.memory_space<semaphore_mem>>) src(%dma_wait3A_101 : memref<10000x128xf32, #tpu.memory_space<hbm>>) dst(%arg8 : memref<80x128xf32, #tpu.memory_space<vmem>>)
      %dma_start3A_102 = arith.constant 0 : i32
      %dma_start3A_103 = arith.constant 0 : i32
      %dma_start3A_104 = tpu.memref_slice %arg16[%dma_start3A_102, %dma_start3A_103] : memref<10112x128xf32, #tpu.memory_space<vmem_shared>> -> memref<10112x128xf32, #tpu.memory_space<vmem_shared>>
      tpu.enqueue_indirect_dma source(%arg8 : memref<80x128xf32, #tpu.memory_space<vmem>>) target(%dma_start3A_104 : memref<10112x128xf32, #tpu.memory_space<vmem_shared>>) offsets(%arg14 : memref<80xi32, #tpu.memory_space<vmem>>) semaphore(%arg21 : memref<!tpu.dma_semaphore, #tpu.memory_space<semaphore_mem>>) {add = true}
      %dma_wait3A_105 = arith.constant 0 : i32
      %dma_wait3A_106 = arith.constant 0 : i32
      %dma_wait3A_107 = tpu.memref_slice %arg16[%dma_wait3A_105, %dma_wait3A_106] : memref<10112x128xf32, #tpu.memory_space<vmem_shared>> -> memref<10112x128xf32, #tpu.memory_space<vmem_shared>>
      tpu.wait_indirect_dma semaphore(%arg20 : memref<!tpu.dma_semaphore, #tpu.memory_space<semaphore_mem>>) src(%arg7 : memref<80x128xf32, #tpu.memory_space<vmem>>) dst(%dma_wait3A_107 : memref<10112x128xf32, #tpu.memory_space<vmem_shared>>)
      %add3A_108 = arith.constant 3 : i32
      %add3A_109 = arith.addi %mul3A_92, %add3A_108 : i32
      %mul3A_110 = arith.constant 80 : i32
      %mul3A_111 = arith.muli %add3A_109, %mul3A_110 : i32
      %add3A_112 = arith.addi %mul3A_2, %mul3A_111 : i32
      %dma_start3A_113 = tpu.memref_slice %arg3[%add3A_112] : memref<322560xi32, #tpu.memory_space<hbm>> -> memref<80xi32, #tpu.memory_space<hbm>>
      %dma_start3A_114 = tpu.memref_slice %arg3[%add3A_112] : memref<322560xi32, #tpu.memory_space<hbm>> -> memref<80xi32, #tpu.memory_space<hbm>>
      tpu.enqueue_dma source(%dma_start3A_114 : memref<80xi32, #tpu.memory_space<hbm>>) target(%arg10 : memref<80xi32, #tpu.memory_space<vmem>>) target_semaphore(%arg23 : memref<!tpu.dma_semaphore, #tpu.memory_space<semaphore_mem>>)
      %dma_start3A_115 = tpu.memref_slice %arg4[%add3A_112] : memref<322560xi32, #tpu.memory_space<hbm>> -> memref<80xi32, #tpu.memory_space<hbm>>
      %dma_start3A_116 = tpu.memref_slice %arg4[%add3A_112] : memref<322560xi32, #tpu.memory_space<hbm>> -> memref<80xi32, #tpu.memory_space<hbm>>
      tpu.enqueue_dma source(%dma_start3A_116 : memref<80xi32, #tpu.memory_space<hbm>>) target(%arg13 : memref<80xi32, #tpu.memory_space<vmem>>) target_semaphore(%arg23 : memref<!tpu.dma_semaphore, #tpu.memory_space<semaphore_mem>>)
      %dma_wait3A_117 = arith.constant 0 : i32
      %dma_wait3A_118 = arith.constant 0 : i32
      %dma_wait3A_119 = tpu.memref_slice %arg2[%dma_wait3A_117, %dma_wait3A_118] : memref<10000x128xf32, #tpu.memory_space<hbm>> -> memref<10000x128xf32, #tpu.memory_space<hbm>>
      tpu.wait_indirect_dma semaphore(%arg19 : memref<!tpu.dma_semaphore, #tpu.memory_space<semaphore_mem>>) src(%dma_wait3A_119 : memref<10000x128xf32, #tpu.memory_space<hbm>>) dst(%arg9 : memref<80x128xf32, #tpu.memory_space<vmem>>)
      %dma_start3A_120 = arith.constant 0 : i32
      %dma_start3A_121 = arith.constant 0 : i32
      %dma_start3A_122 = tpu.memref_slice %arg16[%dma_start3A_120, %dma_start3A_121] : memref<10112x128xf32, #tpu.memory_space<vmem_shared>> -> memref<10112x128xf32, #tpu.memory_space<vmem_shared>>
      tpu.enqueue_indirect_dma source(%arg9 : memref<80x128xf32, #tpu.memory_space<vmem>>) target(%dma_start3A_122 : memref<10112x128xf32, #tpu.memory_space<vmem_shared>>) offsets(%arg15 : memref<80xi32, #tpu.memory_space<vmem>>) semaphore(%arg22 : memref<!tpu.dma_semaphore, #tpu.memory_space<semaphore_mem>>) {add = true}
      %dma_wait3A_123 = arith.constant 0 : i32
      %dma_wait3A_124 = arith.constant 0 : i32
      %dma_wait3A_125 = tpu.memref_slice %arg16[%dma_wait3A_123, %dma_wait3A_124] : memref<10112x128xf32, #tpu.memory_space<vmem_shared>> -> memref<10112x128xf32, #tpu.memory_space<vmem_shared>>
      tpu.wait_indirect_dma semaphore(%arg21 : memref<!tpu.dma_semaphore, #tpu.memory_space<semaphore_mem>>) src(%arg8 : memref<80x128xf32, #tpu.memory_space<vmem>>) dst(%dma_wait3A_125 : memref<10112x128xf32, #tpu.memory_space<vmem_shared>>)
      %add3A_126 = arith.constant 4 : i32
      %add3A_127 = arith.addi %mul3A_92, %add3A_126 : i32
      %mul3A_128 = arith.constant 80 : i32
      %mul3A_129 = arith.muli %add3A_127, %mul3A_128 : i32
      %add3A_130 = arith.addi %mul3A_2, %mul3A_129 : i32
      %dma_start3A_131 = tpu.memref_slice %arg3[%add3A_130] : memref<322560xi32, #tpu.memory_space<hbm>> -> memref<80xi32, #tpu.memory_space<hbm>>
      %dma_start3A_132 = tpu.memref_slice %arg3[%add3A_130] : memref<322560xi32, #tpu.memory_space<hbm>> -> memref<80xi32, #tpu.memory_space<hbm>>
      tpu.enqueue_dma source(%dma_start3A_132 : memref<80xi32, #tpu.memory_space<hbm>>) target(%arg11 : memref<80xi32, #tpu.memory_space<vmem>>) target_semaphore(%arg24 : memref<!tpu.dma_semaphore, #tpu.memory_space<semaphore_mem>>)
      %dma_start3A_133 = tpu.memref_slice %arg4[%add3A_130] : memref<322560xi32, #tpu.memory_space<hbm>> -> memref<80xi32, #tpu.memory_space<hbm>>
      %dma_start3A_134 = tpu.memref_slice %arg4[%add3A_130] : memref<322560xi32, #tpu.memory_space<hbm>> -> memref<80xi32, #tpu.memory_space<hbm>>
      tpu.enqueue_dma source(%dma_start3A_134 : memref<80xi32, #tpu.memory_space<hbm>>) target(%arg14 : memref<80xi32, #tpu.memory_space<vmem>>) target_semaphore(%arg24 : memref<!tpu.dma_semaphore, #tpu.memory_space<semaphore_mem>>)
      %add3A_135 = arith.constant 3 : i32
      %add3A_136 = arith.addi %mul3A_92, %add3A_135 : i32
      %mul3A_137 = arith.constant 80 : i32
      %mul3A_138 = arith.muli %add3A_136, %mul3A_137 : i32
      %add3A_139 = arith.addi %mul3A_2, %mul3A_138 : i32
      %dma_wait3A_140 = tpu.memref_slice %arg3[%add3A_139] : memref<322560xi32, #tpu.memory_space<hbm>> -> memref<80xi32, #tpu.memory_space<hbm>>
      %dma_wait3A_141 = tpu.memref_slice %arg3[%add3A_139] : memref<322560xi32, #tpu.memory_space<hbm>> -> memref<80xi32, #tpu.memory_space<hbm>>
      tpu.wait_dma2 semaphore(%arg23 : memref<!tpu.dma_semaphore, #tpu.memory_space<semaphore_mem>>) src(%dma_wait3A_141 : memref<80xi32, #tpu.memory_space<hbm>>) dst(%arg10 : memref<80xi32, #tpu.memory_space<vmem>>)
      %dma_wait3A_142 = tpu.memref_slice %arg4[%add3A_139] : memref<322560xi32, #tpu.memory_space<hbm>> -> memref<80xi32, #tpu.memory_space<hbm>>
      %dma_wait3A_143 = tpu.memref_slice %arg4[%add3A_139] : memref<322560xi32, #tpu.memory_space<hbm>> -> memref<80xi32, #tpu.memory_space<hbm>>
      tpu.wait_dma2 semaphore(%arg23 : memref<!tpu.dma_semaphore, #tpu.memory_space<semaphore_mem>>) src(%dma_wait3A_143 : memref<80xi32, #tpu.memory_space<hbm>>) dst(%arg13 : memref<80xi32, #tpu.memory_space<vmem>>)
      %dma_start3A_144 = arith.constant 0 : i32
      %dma_start3A_145 = arith.constant 0 : i32
      %dma_start3A_146 = tpu.memref_slice %arg2[%dma_start3A_144, %dma_start3A_145] : memref<10000x128xf32, #tpu.memory_space<hbm>> -> memref<10000x128xf32, #tpu.memory_space<hbm>>
      tpu.enqueue_indirect_dma source(%dma_start3A_146 : memref<10000x128xf32, #tpu.memory_space<hbm>>) target(%arg7 : memref<80x128xf32, #tpu.memory_space<vmem>>) offsets(%arg10 : memref<80xi32, #tpu.memory_space<vmem>>) semaphore(%arg17 : memref<!tpu.dma_semaphore, #tpu.memory_space<semaphore_mem>>)
      %dma_wait3A_147 = arith.constant 0 : i32
      %dma_wait3A_148 = arith.constant 0 : i32
      %dma_wait3A_149 = tpu.memref_slice %arg16[%dma_wait3A_147, %dma_wait3A_148] : memref<10112x128xf32, #tpu.memory_space<vmem_shared>> -> memref<10112x128xf32, #tpu.memory_space<vmem_shared>>
      tpu.wait_indirect_dma semaphore(%arg22 : memref<!tpu.dma_semaphore, #tpu.memory_space<semaphore_mem>>) src(%arg9 : memref<80x128xf32, #tpu.memory_space<vmem>>) dst(%dma_wait3A_149 : memref<10112x128xf32, #tpu.memory_space<vmem_shared>>)
      %add3A_150 = arith.constant 5 : i32
      %add3A_151 = arith.addi %mul3A_92, %add3A_150 : i32
      %mul3A_152 = arith.constant 80 : i32
      %mul3A_153 = arith.muli %add3A_151, %mul3A_152 : i32
      %add3A_154 = arith.addi %mul3A_2, %mul3A_153 : i32
      %dma_start3A_155 = tpu.memref_slice %arg3[%add3A_154] : memref<322560xi32, #tpu.memory_space<hbm>> -> memref<80xi32, #tpu.memory_space<hbm>>
      %dma_start3A_156 = tpu.memref_slice %arg3[%add3A_154] : memref<322560xi32, #tpu.memory_space<hbm>> -> memref<80xi32, #tpu.memory_space<hbm>>
      tpu.enqueue_dma source(%dma_start3A_156 : memref<80xi32, #tpu.memory_space<hbm>>) target(%arg12 : memref<80xi32, #tpu.memory_space<vmem>>) target_semaphore(%arg25 : memref<!tpu.dma_semaphore, #tpu.memory_space<semaphore_mem>>)
      %dma_start3A_157 = tpu.memref_slice %arg4[%add3A_154] : memref<322560xi32, #tpu.memory_space<hbm>> -> memref<80xi32, #tpu.memory_space<hbm>>
      %dma_start3A_158 = tpu.memref_slice %arg4[%add3A_154] : memref<322560xi32, #tpu.memory_space<hbm>> -> memref<80xi32, #tpu.memory_space<hbm>>
      tpu.enqueue_dma source(%dma_start3A_158 : memref<80xi32, #tpu.memory_space<hbm>>) target(%arg15 : memref<80xi32, #tpu.memory_space<vmem>>) target_semaphore(%arg25 : memref<!tpu.dma_semaphore, #tpu.memory_space<semaphore_mem>>)
      %add3A_159 = arith.constant 4 : i32
      %add3A_160 = arith.addi %mul3A_92, %add3A_159 : i32
      %mul3A_161 = arith.constant 80 : i32
      %mul3A_162 = arith.muli %add3A_160, %mul3A_161 : i32
      %add3A_163 = arith.addi %mul3A_2, %mul3A_162 : i32
      %dma_wait3A_164 = tpu.memref_slice %arg3[%add3A_163] : memref<322560xi32, #tpu.memory_space<hbm>> -> memref<80xi32, #tpu.memory_space<hbm>>
      %dma_wait3A_165 = tpu.memref_slice %arg3[%add3A_163] : memref<322560xi32, #tpu.memory_space<hbm>> -> memref<80xi32, #tpu.memory_space<hbm>>
      tpu.wait_dma2 semaphore(%arg24 : memref<!tpu.dma_semaphore, #tpu.memory_space<semaphore_mem>>) src(%dma_wait3A_165 : memref<80xi32, #tpu.memory_space<hbm>>) dst(%arg11 : memref<80xi32, #tpu.memory_space<vmem>>)
      %dma_wait3A_166 = tpu.memref_slice %arg4[%add3A_163] : memref<322560xi32, #tpu.memory_space<hbm>> -> memref<80xi32, #tpu.memory_space<hbm>>
      %dma_wait3A_167 = tpu.memref_slice %arg4[%add3A_163] : memref<322560xi32, #tpu.memory_space<hbm>> -> memref<80xi32, #tpu.memory_space<hbm>>
      tpu.wait_dma2 semaphore(%arg24 : memref<!tpu.dma_semaphore, #tpu.memory_space<semaphore_mem>>) src(%dma_wait3A_167 : memref<80xi32, #tpu.memory_space<hbm>>) dst(%arg14 : memref<80xi32, #tpu.memory_space<vmem>>)
      %dma_start3A_168 = arith.constant 0 : i32
      %dma_start3A_169 = arith.constant 0 : i32
      %dma_start3A_170 = tpu.memref_slice %arg2[%dma_start3A_168, %dma_start3A_169] : memref<10000x128xf32, #tpu.memory_space<hbm>> -> memref<10000x128xf32, #tpu.memory_space<hbm>>
      tpu.enqueue_indirect_dma source(%dma_start3A_170 : memref<10000x128xf32, #tpu.memory_space<hbm>>) target(%arg8 : memref<80x128xf32, #tpu.memory_space<vmem>>) offsets(%arg11 : memref<80xi32, #tpu.memory_space<vmem>>) semaphore(%arg18 : memref<!tpu.dma_semaphore, #tpu.memory_space<semaphore_mem>>)
      %add3A_171 = arith.constant 5 : i32
      %add3A_172 = arith.addi %mul3A_92, %add3A_171 : i32
      %mul3A_173 = arith.constant 80 : i32
      %mul3A_174 = arith.muli %add3A_172, %mul3A_173 : i32
      %add3A_175 = arith.addi %mul3A_2, %mul3A_174 : i32
      %dma_wait3A_176 = tpu.memref_slice %arg3[%add3A_175] : memref<322560xi32, #tpu.memory_space<hbm>> -> memref<80xi32, #tpu.memory_space<hbm>>
      %dma_wait3A_177 = tpu.memref_slice %arg3[%add3A_175] : memref<322560xi32, #tpu.memory_space<hbm>> -> memref<80xi32, #tpu.memory_space<hbm>>
      tpu.wait_dma2 semaphore(%arg25 : memref<!tpu.dma_semaphore, #tpu.memory_space<semaphore_mem>>) src(%dma_wait3A_177 : memref<80xi32, #tpu.memory_space<hbm>>) dst(%arg12 : memref<80xi32, #tpu.memory_space<vmem>>)
      %dma_wait3A_178 = tpu.memref_slice %arg4[%add3A_175] : memref<322560xi32, #tpu.memory_space<hbm>> -> memref<80xi32, #tpu.memory_space<hbm>>
      %dma_wait3A_179 = tpu.memref_slice %arg4[%add3A_175] : memref<322560xi32, #tpu.memory_space<hbm>> -> memref<80xi32, #tpu.memory_space<hbm>>
      tpu.wait_dma2 semaphore(%arg25 : memref<!tpu.dma_semaphore, #tpu.memory_space<semaphore_mem>>) src(%dma_wait3A_179 : memref<80xi32, #tpu.memory_space<hbm>>) dst(%arg15 : memref<80xi32, #tpu.memory_space<vmem>>)
      %dma_start3A_180 = arith.constant 0 : i32
      %dma_start3A_181 = arith.constant 0 : i32
      %dma_start3A_182 = tpu.memref_slice %arg2[%dma_start3A_180, %dma_start3A_181] : memref<10000x128xf32, #tpu.memory_space<hbm>> -> memref<10000x128xf32, #tpu.memory_space<hbm>>
      tpu.enqueue_indirect_dma source(%dma_start3A_182 : memref<10000x128xf32, #tpu.memory_space<hbm>>) target(%arg9 : memref<80x128xf32, #tpu.memory_space<vmem>>) offsets(%arg12 : memref<80xi32, #tpu.memory_space<vmem>>) semaphore(%arg19 : memref<!tpu.dma_semaphore, #tpu.memory_space<semaphore_mem>>)
      %scan3A_183 = arith.constant 0 : i32
      scf.yield %scan3A_183 : i32
    }
    %scan3A_53 = arith.constant 41 : i32
    %dma_wait3A_54 = arith.constant 0 : i32
    %dma_wait3A_55 = arith.constant 0 : i32
    %dma_wait3A_56 = tpu.memref_slice %arg2[%dma_wait3A_54, %dma_wait3A_55] : memref<10000x128xf32, #tpu.memory_space<hbm>> -> memref<10000x128xf32, #tpu.memory_space<hbm>>
    tpu.wait_indirect_dma semaphore(%arg17 : memref<!tpu.dma_semaphore, #tpu.memory_space<semaphore_mem>>) src(%dma_wait3A_56 : memref<10000x128xf32, #tpu.memory_space<hbm>>) dst(%arg7 : memref<80x128xf32, #tpu.memory_space<vmem>>)
    %dma_start3A_57 = arith.constant 0 : i32
    %dma_start3A_58 = arith.constant 0 : i32
    %dma_start3A_59 = tpu.memref_slice %arg16[%dma_start3A_57, %dma_start3A_58] : memref<10112x128xf32, #tpu.memory_space<vmem_shared>> -> memref<10112x128xf32, #tpu.memory_space<vmem_shared>>
    tpu.enqueue_indirect_dma source(%arg7 : memref<80x128xf32, #tpu.memory_space<vmem>>) target(%dma_start3A_59 : memref<10112x128xf32, #tpu.memory_space<vmem_shared>>) offsets(%arg13 : memref<80xi32, #tpu.memory_space<vmem>>) semaphore(%arg20 : memref<!tpu.dma_semaphore, #tpu.memory_space<semaphore_mem>>) {add = true}
    %dma_wait3A_60 = arith.constant 0 : i32
    %dma_wait3A_61 = arith.constant 0 : i32
    %dma_wait3A_62 = tpu.memref_slice %arg2[%dma_wait3A_60, %dma_wait3A_61] : memref<10000x128xf32, #tpu.memory_space<hbm>> -> memref<10000x128xf32, #tpu.memory_space<hbm>>
    tpu.wait_indirect_dma semaphore(%arg18 : memref<!tpu.dma_semaphore, #tpu.memory_space<semaphore_mem>>) src(%dma_wait3A_62 : memref<10000x128xf32, #tpu.memory_space<hbm>>) dst(%arg8 : memref<80x128xf32, #tpu.memory_space<vmem>>)
    %dma_start3A_63 = arith.constant 0 : i32
    %dma_start3A_64 = arith.constant 0 : i32
    %dma_start3A_65 = tpu.memref_slice %arg16[%dma_start3A_63, %dma_start3A_64] : memref<10112x128xf32, #tpu.memory_space<vmem_shared>> -> memref<10112x128xf32, #tpu.memory_space<vmem_shared>>
    tpu.enqueue_indirect_dma source(%arg8 : memref<80x128xf32, #tpu.memory_space<vmem>>) target(%dma_start3A_65 : memref<10112x128xf32, #tpu.memory_space<vmem_shared>>) offsets(%arg14 : memref<80xi32, #tpu.memory_space<vmem>>) semaphore(%arg21 : memref<!tpu.dma_semaphore, #tpu.memory_space<semaphore_mem>>) {add = true}
    %dma_wait3A_66 = arith.constant 0 : i32
    %dma_wait3A_67 = arith.constant 0 : i32
    %dma_wait3A_68 = tpu.memref_slice %arg2[%dma_wait3A_66, %dma_wait3A_67] : memref<10000x128xf32, #tpu.memory_space<hbm>> -> memref<10000x128xf32, #tpu.memory_space<hbm>>
    tpu.wait_indirect_dma semaphore(%arg19 : memref<!tpu.dma_semaphore, #tpu.memory_space<semaphore_mem>>) src(%dma_wait3A_68 : memref<10000x128xf32, #tpu.memory_space<hbm>>) dst(%arg9 : memref<80x128xf32, #tpu.memory_space<vmem>>)
    %dma_start3A_69 = arith.constant 0 : i32
    %dma_start3A_70 = arith.constant 0 : i32
    %dma_start3A_71 = tpu.memref_slice %arg16[%dma_start3A_69, %dma_start3A_70] : memref<10112x128xf32, #tpu.memory_space<vmem_shared>> -> memref<10112x128xf32, #tpu.memory_space<vmem_shared>>
    tpu.enqueue_indirect_dma source(%arg9 : memref<80x128xf32, #tpu.memory_space<vmem>>) target(%dma_start3A_71 : memref<10112x128xf32, #tpu.memory_space<vmem_shared>>) offsets(%arg15 : memref<80xi32, #tpu.memory_space<vmem>>) semaphore(%arg22 : memref<!tpu.dma_semaphore, #tpu.memory_space<semaphore_mem>>) {add = true}
    %dma_wait3A_72 = arith.constant 0 : i32
    %dma_wait3A_73 = arith.constant 0 : i32
    %dma_wait3A_74 = tpu.memref_slice %arg16[%dma_wait3A_72, %dma_wait3A_73] : memref<10112x128xf32, #tpu.memory_space<vmem_shared>> -> memref<10112x128xf32, #tpu.memory_space<vmem_shared>>
    tpu.wait_indirect_dma semaphore(%arg20 : memref<!tpu.dma_semaphore, #tpu.memory_space<semaphore_mem>>) src(%arg7 : memref<80x128xf32, #tpu.memory_space<vmem>>) dst(%dma_wait3A_74 : memref<10112x128xf32, #tpu.memory_space<vmem_shared>>)
    %dma_wait3A_75 = arith.constant 0 : i32
    %dma_wait3A_76 = arith.constant 0 : i32
    %dma_wait3A_77 = tpu.memref_slice %arg16[%dma_wait3A_75, %dma_wait3A_76] : memref<10112x128xf32, #tpu.memory_space<vmem_shared>> -> memref<10112x128xf32, #tpu.memory_space<vmem_shared>>
    tpu.wait_indirect_dma semaphore(%arg21 : memref<!tpu.dma_semaphore, #tpu.memory_space<semaphore_mem>>) src(%arg8 : memref<80x128xf32, #tpu.memory_space<vmem>>) dst(%dma_wait3A_77 : memref<10112x128xf32, #tpu.memory_space<vmem_shared>>)
    %dma_wait3A_78 = arith.constant 0 : i32
    %dma_wait3A_79 = arith.constant 0 : i32
    %dma_wait3A_80 = tpu.memref_slice %arg16[%dma_wait3A_78, %dma_wait3A_79] : memref<10112x128xf32, #tpu.memory_space<vmem_shared>> -> memref<10112x128xf32, #tpu.memory_space<vmem_shared>>
    tpu.wait_indirect_dma semaphore(%arg22 : memref<!tpu.dma_semaphore, #tpu.memory_space<semaphore_mem>>) src(%arg9 : memref<80x128xf32, #tpu.memory_space<vmem>>) dst(%dma_wait3A_80 : memref<10112x128xf32, #tpu.memory_space<vmem_shared>>)
    %barrier3A_81 = arith.constant 0 : index
    tpu.barrier barrier_id(%barrier3A_81)
    %mul3A_82 = arith.constant 632 : i32
    %mul3A_83 = arith.muli %arg1, %mul3A_82 : i32
    %mul3A_84 = arith.constant 10112 : i32
    %mul3A_85 = arith.muli %arg0, %mul3A_84 : i32
    %mul3A_86 = arith.constant 632 : i32
    %mul3A_87 = arith.muli %arg1, %mul3A_86 : i32
    %add3A_88 = arith.addi %mul3A_85, %mul3A_87 : i32
    "tpu.region"() ({
      %run_scoped3A = tpu.sem_alloc : memref<!tpu.dma_semaphore, #tpu.memory_space<semaphore_mem>>
      %dma_start3A_89 = arith.constant 0 : i32
      %dma_start3A_90 = tpu.memref_slice %arg6[%add3A_88, %dma_start3A_89] : memref<20224x128xf32, #tpu.memory_space<hbm>> -> memref<632x128xf32, #tpu.memory_space<hbm>>
      %dma_start3A_91 = arith.constant 0 : i32
      %dma_start3A_92 = tpu.memref_slice %arg16[%mul3A_83, %dma_start3A_91] : memref<10112x128xf32, #tpu.memory_space<vmem_shared>> -> memref<632x128xf32, #tpu.memory_space<vmem_shared>>
      tpu.enqueue_dma source(%dma_start3A_92 : memref<632x128xf32, #tpu.memory_space<vmem_shared>>) target(%dma_start3A_90 : memref<632x128xf32, #tpu.memory_space<hbm>>) target_semaphore(%run_scoped3A : memref<!tpu.dma_semaphore, #tpu.memory_space<semaphore_mem>>)
      %dma_wait3A_93 = arith.constant 0 : i32
      %dma_wait3A_94 = tpu.memref_slice %arg6[%add3A_88, %dma_wait3A_93] : memref<20224x128xf32, #tpu.memory_space<hbm>> -> memref<632x128xf32, #tpu.memory_space<hbm>>
      %dma_wait3A_95 = arith.constant 0 : i32
      %dma_wait3A_96 = tpu.memref_slice %arg16[%mul3A_83, %dma_wait3A_95] : memref<10112x128xf32, #tpu.memory_space<vmem_shared>> -> memref<632x128xf32, #tpu.memory_space<vmem_shared>>
      tpu.wait_dma2 semaphore(%run_scoped3A : memref<!tpu.dma_semaphore, #tpu.memory_space<semaphore_mem>>) src(%dma_wait3A_96 : memref<632x128xf32, #tpu.memory_space<vmem_shared>>) dst(%dma_wait3A_94 : memref<632x128xf32, #tpu.memory_space<hbm>>)
      tpu.yield
    }) : () -> ()
    return
  }
}

#map = affine_map<(d0, d1) -> (0, 0, 0)>
#map1 = affine_map<(d0, d1) -> (0, 0)>
module attributes {stable_mosaic.version = 14 : i64} {
  func.func @_deg_kernel(%arg0: i32, %arg1: i32, %arg2: memref<32x80x128xi32, #tpu.memory_space<hbm>>, %arg3: memref<632x16xf32, #tpu.memory_space<hbm>>, %arg4: memref<20224x16xf32, #tpu.memory_space<hbm>>, %arg5: memref<80x128xi32, #tpu.memory_space<vmem>>, %arg6: memref<128x16xf32, #tpu.memory_space<vmem>>, %arg7: memref<10112x16xf32, #tpu.memory_space<vmem_shared>>, %arg8: memref<!tpu.dma_semaphore, #tpu.memory_space<semaphore_mem>>) attributes {dimension_semantics = [#tpu.dimension_semantics<core_parallel>, #tpu.dimension_semantics<subcore_parallel>], iteration_bounds = array<i64: 2, 16>, scalar_prefetch = 0 : i64, scratch_operands = 4 : i64, tpu.core_type = #tpu.core_type<sc_vector_subcore>, window_params = [{transform_indices = #map}, {transform_indices = #map1}, {transform_indices = #map1}]} {
    %mul3A = arith.constant 16 : i32
    %mul3A_0 = arith.muli %arg0, %mul3A : i32
    %add3A = arith.addi %mul3A_0, %arg1 : i32
    %scan3A = arith.constant 0 : i32
    %scan3A_1 = arith.constant 0 : i32
    %scan3A_2 = arith.constant 128 : i32
    %scan3A_3 = arith.addi %scan3A_1, %scan3A_2 : i32
    %scan3A_4 = arith.constant 1 : i32
    %scan3A_5 = scf.for %scan3A_31 = %scan3A_1 to %scan3A_3 step %scan3A_4 iter_args(%scan3A_32 = %scan3A) -> (i32)  : i32 {
      %broadcast_in_dim3A = arith.constant 1.000000e+00 : f32
      %broadcast_in_dim3A_33 = vector.broadcast %broadcast_in_dim3A : f32 to vector<16xf32>
      %swap3A = arith.index_cast %scan3A_31 : i32 to index
      %swap3A_34 = arith.constant 0 : index
      %swap3A_35 = tpu.vector_load %arg6[%swap3A, %swap3A_34] {strides = array<i32>} : memref<128x16xf32, #tpu.memory_space<vmem>>, vector<1x16xf32>,
      %swap3A_36 = vector.shape_cast %swap3A_35 : vector<1x16xf32> to vector<16xf32>
      %swap3A_37 = vector.shape_cast %broadcast_in_dim3A_33 : vector<16xf32> to vector<1x16xf32>
      tpu.vector_store %arg6[%swap3A, %swap3A_34], %swap3A_37 {strides = array<i32>} : memref<128x16xf32, #tpu.memory_space<vmem>>, vector<1x16xf32>,
      %scan3A_38 = arith.constant 0 : i32
      scf.yield %scan3A_38 : i32
    }
    %scan3A_6 = arith.constant 128 : i32
    "tpu.region"() ({
      %run_scoped3A = tpu.sem_alloc : memref<!tpu.dma_semaphore, #tpu.memory_space<semaphore_mem>>
      %dma_start3A = arith.constant 0 : i32
      %dma_start3A_31 = arith.constant 0 : i32
      %dma_start3A_32 = tpu.memref_slice %arg2[%add3A, %dma_start3A, %dma_start3A_31] : memref<32x80x128xi32, #tpu.memory_space<hbm>> -> memref<1x80x128xi32, #tpu.memory_space<hbm>>
      %dma_start3A_33 = tpu.memref_squeeze %dma_start3A_32 : memref<1x80x128xi32, #tpu.memory_space<hbm>> -> memref<80x128xi32, #tpu.memory_space<hbm>>
      %dma_start3A_34 = arith.constant 0 : i32
      %dma_start3A_35 = arith.constant 0 : i32
      %dma_start3A_36 = tpu.memref_slice %arg2[%add3A, %dma_start3A_34, %dma_start3A_35] : memref<32x80x128xi32, #tpu.memory_space<hbm>> -> memref<1x80x128xi32, #tpu.memory_space<hbm>>
      %dma_start3A_37 = tpu.memref_squeeze %dma_start3A_36 : memref<1x80x128xi32, #tpu.memory_space<hbm>> -> memref<80x128xi32, #tpu.memory_space<hbm>>
      tpu.enqueue_dma source(%dma_start3A_37 : memref<80x128xi32, #tpu.memory_space<hbm>>) target(%arg5 : memref<80x128xi32, #tpu.memory_space<vmem>>) target_semaphore(%run_scoped3A : memref<!tpu.dma_semaphore, #tpu.memory_space<semaphore_mem>>)
      %dma_wait3A = arith.constant 0 : i32
      %dma_wait3A_38 = arith.constant 0 : i32
      %dma_wait3A_39 = tpu.memref_slice %arg2[%add3A, %dma_wait3A, %dma_wait3A_38] : memref<32x80x128xi32, #tpu.memory_space<hbm>> -> memref<1x80x128xi32, #tpu.memory_space<hbm>>
      %dma_wait3A_40 = tpu.memref_squeeze %dma_wait3A_39 : memref<1x80x128xi32, #tpu.memory_space<hbm>> -> memref<80x128xi32, #tpu.memory_space<hbm>>
      %dma_wait3A_41 = arith.constant 0 : i32
      %dma_wait3A_42 = arith.constant 0 : i32
      %dma_wait3A_43 = tpu.memref_slice %arg2[%add3A, %dma_wait3A_41, %dma_wait3A_42] : memref<32x80x128xi32, #tpu.memory_space<hbm>> -> memref<1x80x128xi32, #tpu.memory_space<hbm>>
      %dma_wait3A_44 = tpu.memref_squeeze %dma_wait3A_43 : memref<1x80x128xi32, #tpu.memory_space<hbm>> -> memref<80x128xi32, #tpu.memory_space<hbm>>
      tpu.wait_dma2 semaphore(%run_scoped3A : memref<!tpu.dma_semaphore, #tpu.memory_space<semaphore_mem>>) src(%dma_wait3A_44 : memref<80x128xi32, #tpu.memory_space<hbm>>) dst(%arg5 : memref<80x128xi32, #tpu.memory_space<vmem>>)
      tpu.yield
    }) : () -> ()
    %mul3A_7 = arith.constant 632 : i32
    %mul3A_8 = arith.muli %arg1, %mul3A_7 : i32
    "tpu.region"() ({
      %run_scoped3A = tpu.sem_alloc : memref<!tpu.dma_semaphore, #tpu.memory_space<semaphore_mem>>
      %dma_start3A = arith.constant 0 : i32
      %dma_start3A_31 = tpu.memref_slice %arg7[%mul3A_8, %dma_start3A] : memref<10112x16xf32, #tpu.memory_space<vmem_shared>> -> memref<632x16xf32, #tpu.memory_space<vmem_shared>>
      %dma_start3A_32 = arith.constant 0 : i32
      %dma_start3A_33 = arith.constant 0 : i32
      %dma_start3A_34 = tpu.memref_slice %arg3[%dma_start3A_32, %dma_start3A_33] : memref<632x16xf32, #tpu.memory_space<hbm>> -> memref<632x16xf32, #tpu.memory_space<hbm>>
      tpu.enqueue_dma source(%dma_start3A_34 : memref<632x16xf32, #tpu.memory_space<hbm>>) target(%dma_start3A_31 : memref<632x16xf32, #tpu.memory_space<vmem_shared>>) target_semaphore(%run_scoped3A : memref<!tpu.dma_semaphore, #tpu.memory_space<semaphore_mem>>)
      %dma_wait3A = arith.constant 0 : i32
      %dma_wait3A_35 = tpu.memref_slice %arg7[%mul3A_8, %dma_wait3A] : memref<10112x16xf32, #tpu.memory_space<vmem_shared>> -> memref<632x16xf32, #tpu.memory_space<vmem_shared>>
      %dma_wait3A_36 = arith.constant 0 : i32
      %dma_wait3A_37 = arith.constant 0 : i32
      %dma_wait3A_38 = tpu.memref_slice %arg3[%dma_wait3A_36, %dma_wait3A_37] : memref<632x16xf32, #tpu.memory_space<hbm>> -> memref<632x16xf32, #tpu.memory_space<hbm>>
      tpu.wait_dma2 semaphore(%run_scoped3A : memref<!tpu.dma_semaphore, #tpu.memory_space<semaphore_mem>>) src(%dma_wait3A_38 : memref<632x16xf32, #tpu.memory_space<hbm>>) dst(%dma_wait3A_35 : memref<632x16xf32, #tpu.memory_space<vmem_shared>>)
      tpu.yield
    }) : () -> ()
    %barrier3A = arith.constant 0 : index
    tpu.barrier barrier_id(%barrier3A)
    %scan3A_9 = arith.constant 0 : i32
    %scan3A_10 = arith.constant 0 : i32
    %scan3A_11 = arith.constant 79 : i32
    %scan3A_12 = arith.addi %scan3A_10, %scan3A_11 : i32
    %scan3A_13 = arith.constant 1 : i32
    %scan3A_14 = scf.for %scan3A_31 = %scan3A_10 to %scan3A_12 step %scan3A_13 iter_args(%scan3A_32 = %scan3A_9) -> (i32)  : i32 {
      %dma_start3A = arith.constant 0 : i32
      %dma_start3A_33 = tpu.memref_slice %arg5[%scan3A_31, %dma_start3A] : memref<80x128xi32, #tpu.memory_space<vmem>> -> memref<1x128xi32, #tpu.memory_space<vmem>>
      %dma_start3A_34 = tpu.memref_squeeze %dma_start3A_33 : memref<1x128xi32, #tpu.memory_space<vmem>> -> memref<128xi32, #tpu.memory_space<vmem>>
      %dma_start3A_35 = arith.constant 0 : i32
      %dma_start3A_36 = arith.constant 0 : i32
      %dma_start3A_37 = tpu.memref_slice %arg7[%dma_start3A_35, %dma_start3A_36] : memref<10112x16xf32, #tpu.memory_space<vmem_shared>> -> memref<10112x16xf32, #tpu.memory_space<vmem_shared>>
      tpu.enqueue_indirect_dma source(%arg6 : memref<128x16xf32, #tpu.memory_space<vmem>>) target(%dma_start3A_37 : memref<10112x16xf32, #tpu.memory_space<vmem_shared>>) offsets(%dma_start3A_34 : memref<128xi32, #tpu.memory_space<vmem>>) semaphore(%arg8 : memref<!tpu.dma_semaphore, #tpu.memory_space<semaphore_mem>>) {add = true}
      %scan3A_38 = arith.constant 0 : i32
      scf.yield %scan3A_38 : i32
    }
    %scan3A_15 = arith.constant 79 : i32
    %scan3A_16 = arith.constant 0 : i32
    %scan3A_17 = arith.constant 0 : i32
    %scan3A_18 = arith.constant 79 : i32
    %scan3A_19 = arith.addi %scan3A_17, %scan3A_18 : i32
    %scan3A_20 = arith.constant 1 : i32
    %scan3A_21 = scf.for %scan3A_31 = %scan3A_17 to %scan3A_19 step %scan3A_20 iter_args(%scan3A_32 = %scan3A_16) -> (i32)  : i32 {
      %dma_wait3A = arith.constant 0 : i32
      %dma_wait3A_33 = tpu.memref_slice %arg5[%scan3A_31, %dma_wait3A] : memref<80x128xi32, #tpu.memory_space<vmem>> -> memref<1x128xi32, #tpu.memory_space<vmem>>
      %dma_wait3A_34 = tpu.memref_squeeze %dma_wait3A_33 : memref<1x128xi32, #tpu.memory_space<vmem>> -> memref<128xi32, #tpu.memory_space<vmem>>
      %dma_wait3A_35 = arith.constant 0 : i32
      %dma_wait3A_36 = arith.constant 0 : i32
      %dma_wait3A_37 = tpu.memref_slice %arg7[%dma_wait3A_35, %dma_wait3A_36] : memref<10112x16xf32, #tpu.memory_space<vmem_shared>> -> memref<10112x16xf32, #tpu.memory_space<vmem_shared>>
      tpu.wait_indirect_dma semaphore(%arg8 : memref<!tpu.dma_semaphore, #tpu.memory_space<semaphore_mem>>) src(%arg6 : memref<128x16xf32, #tpu.memory_space<vmem>>) dst(%dma_wait3A_37 : memref<10112x16xf32, #tpu.memory_space<vmem_shared>>)
      %scan3A_38 = arith.constant 0 : i32
      scf.yield %scan3A_38 : i32
    }
    %scan3A_22 = arith.constant 79 : i32
    %barrier3A_23 = arith.constant 0 : index
    tpu.barrier barrier_id(%barrier3A_23)
    %mul3A_24 = arith.constant 632 : i32
    %mul3A_25 = arith.muli %arg1, %mul3A_24 : i32
    %mul3A_26 = arith.constant 10112 : i32
    %mul3A_27 = arith.muli %arg0, %mul3A_26 : i32
    %mul3A_28 = arith.constant 632 : i32
    %mul3A_29 = arith.muli %arg1, %mul3A_28 : i32
    %add3A_30 = arith.addi %mul3A_27, %mul3A_29 : i32
    "tpu.region"() ({
      %run_scoped3A = tpu.sem_alloc : memref<!tpu.dma_semaphore, #tpu.memory_space<semaphore_mem>>
      %dma_start3A = arith.constant 0 : i32
      %dma_start3A_31 = tpu.memref_slice %arg4[%add3A_30, %dma_start3A] : memref<20224x16xf32, #tpu.memory_space<hbm>> -> memref<632x16xf32, #tpu.memory_space<hbm>>
      %dma_start3A_32 = arith.constant 0 : i32
      %dma_start3A_33 = tpu.memref_slice %arg7[%mul3A_25, %dma_start3A_32] : memref<10112x16xf32, #tpu.memory_space<vmem_shared>> -> memref<632x16xf32, #tpu.memory_space<vmem_shared>>
      tpu.enqueue_dma source(%dma_start3A_33 : memref<632x16xf32, #tpu.memory_space<vmem_shared>>) target(%dma_start3A_31 : memref<632x16xf32, #tpu.memory_space<hbm>>) target_semaphore(%run_scoped3A : memref<!tpu.dma_semaphore, #tpu.memory_space<semaphore_mem>>)
      %dma_wait3A = arith.constant 0 : i32
      %dma_wait3A_34 = tpu.memref_slice %arg4[%add3A_30, %dma_wait3A] : memref<20224x16xf32, #tpu.memory_space<hbm>> -> memref<632x16xf32, #tpu.memory_space<hbm>>
      %dma_wait3A_35 = arith.constant 0 : i32
      %dma_wait3A_36 = tpu.memref_slice %arg7[%mul3A_25, %dma_wait3A_35] : memref<10112x16xf32, #tpu.memory_space<vmem_shared>> -> memref<632x16xf32, #tpu.memory_space<vmem_shared>>
      tpu.wait_dma2 semaphore(%run_scoped3A : memref<!tpu.dma_semaphore, #tpu.memory_space<semaphore_mem>>) src(%dma_wait3A_36 : memref<632x16xf32, #tpu.memory_space<vmem_shared>>) dst(%dma_wait3A_34 : memref<632x16xf32, #tpu.memory_space<hbm>>)
      tpu.yield
    }) : () -> ()
    return
  }
}

#map = affine_map<(d0, d1) -> (0, 0)>
#map1 = affine_map<(d0, d1) -> (0)>
module attributes {stable_mosaic.version = 14 : i64} {
  func.func @_scatter_kernel(%arg0: i32, %arg1: i32, %arg2: memref<10000x128xf32, #tpu.memory_space<hbm>>, %arg3: memref<322560xi32, #tpu.memory_space<hbm>>, %arg4: memref<322560xi32, #tpu.memory_space<hbm>>, %arg5: memref<632x128xf32, #tpu.memory_space<hbm>>, %arg6: memref<20224x128xf32, #tpu.memory_space<hbm>>, %arg7: memref<80x128xf32, #tpu.memory_space<vmem>>, %arg8: memref<80x128xf32, #tpu.memory_space<vmem>>, %arg9: memref<80x128xf32, #tpu.memory_space<vmem>>, %arg10: memref<80xi32, #tpu.memory_space<vmem>>, %arg11: memref<80xi32, #tpu.memory_space<vmem>>, %arg12: memref<80xi32, #tpu.memory_space<vmem>>, %arg13: memref<80xi32, #tpu.memory_space<vmem>>, %arg14: memref<80xi32, #tpu.memory_space<vmem>>, %arg15: memref<80xi32, #tpu.memory_space<vmem>>, %arg16: memref<10112x128xf32, #tpu.memory_space<vmem_shared>>, %arg17: memref<!tpu.dma_semaphore, #tpu.memory_space<semaphore_mem>>, %arg18: memref<!tpu.dma_semaphore, #tpu.memory_space<semaphore_mem>>, %arg19: memref<!tpu.dma_semaphore, #tpu.memory_space<semaphore_mem>>, %arg20: memref<!tpu.dma_semaphore, #tpu.memory_space<semaphore_mem>>, %arg21: memref<!tpu.dma_semaphore, #tpu.memory_space<semaphore_mem>>, %arg22: memref<!tpu.dma_semaphore, #tpu.memory_space<semaphore_mem>>, %arg23: memref<!tpu.dma_semaphore, #tpu.memory_space<semaphore_mem>>, %arg24: memref<!tpu.dma_semaphore, #tpu.memory_space<semaphore_mem>>, %arg25: memref<!tpu.dma_semaphore, #tpu.memory_space<semaphore_mem>>) attributes {dimension_semantics = [#tpu.dimension_semantics<core_parallel>, #tpu.dimension_semantics<subcore_parallel>], iteration_bounds = array<i64: 2, 16>, scalar_prefetch = 0 : i64, scratch_operands = 19 : i64, tpu.core_type = #tpu.core_type<sc_vector_subcore>, window_params = [{transform_indices = #map}, {transform_indices = #map1}, {transform_indices = #map1}, {transform_indices = #map}, {transform_indices = #map}]} {
    %mul3A = arith.constant 16 : i32
    %mul3A_0 = arith.muli %arg0, %mul3A : i32
    %add3A = arith.addi %mul3A_0, %arg1 : i32
    %mul3A_1 = arith.constant 10080 : i32
    %mul3A_2 = arith.muli %add3A, %mul3A_1 : i32
    %mul3A_3 = arith.constant 632 : i32
    %mul3A_4 = arith.muli %arg1, %mul3A_3 : i32
    "tpu.region"() ({
      %run_scoped3A = tpu.sem_alloc : memref<!tpu.dma_semaphore, #tpu.memory_space<semaphore_mem>>
      %dma_start3A_89 = arith.constant 0 : i32
      %dma_start3A_90 = tpu.memref_slice %arg16[%mul3A_4, %dma_start3A_89] : memref<10112x128xf32, #tpu.memory_space<vmem_shared>> -> memref<632x128xf32, #tpu.memory_space<vmem_shared>>
      %dma_start3A_91 = arith.constant 0 : i32
      %dma_start3A_92 = arith.constant 0 : i32
      %dma_start3A_93 = tpu.memref_slice %arg5[%dma_start3A_91, %dma_start3A_92] : memref<632x128xf32, #tpu.memory_space<hbm>> -> memref<632x128xf32, #tpu.memory_space<hbm>>
      tpu.enqueue_dma source(%dma_start3A_93 : memref<632x128xf32, #tpu.memory_space<hbm>>) target(%dma_start3A_90 : memref<632x128xf32, #tpu.memory_space<vmem_shared>>) target_semaphore(%run_scoped3A : memref<!tpu.dma_semaphore, #tpu.memory_space<semaphore_mem>>)
      %dma_wait3A_94 = arith.constant 0 : i32
      %dma_wait3A_95 = tpu.memref_slice %arg16[%mul3A_4, %dma_wait3A_94] : memref<10112x128xf32, #tpu.memory_space<vmem_shared>> -> memref<632x128xf32, #tpu.memory_space<vmem_shared>>
      %dma_wait3A_96 = arith.constant 0 : i32
      %dma_wait3A_97 = arith.constant 0 : i32
      %dma_wait3A_98 = tpu.memref_slice %arg5[%dma_wait3A_96, %dma_wait3A_97] : memref<632x128xf32, #tpu.memory_space<hbm>> -> memref<632x128xf32, #tpu.memory_space<hbm>>
      tpu.wait_dma2 semaphore(%run_scoped3A : memref<!tpu.dma_semaphore, #tpu.memory_space<semaphore_mem>>) src(%dma_wait3A_98 : memref<632x128xf32, #tpu.memory_space<hbm>>) dst(%dma_wait3A_95 : memref<632x128xf32, #tpu.memory_space<vmem_shared>>)
      tpu.yield
    }) : () -> ()
    %barrier3A = arith.constant 0 : index
    tpu.barrier barrier_id(%barrier3A)
    %add3A_5 = arith.constant 0 : i32
    %add3A_6 = arith.addi %mul3A_2, %add3A_5 : i32
    %dma_start3A = tpu.memref_slice %arg3[%add3A_6] : memref<322560xi32, #tpu.memory_space<hbm>> -> memref<80xi32, #tpu.memory_space<hbm>>
    %dma_start3A_7 = tpu.memref_slice %arg3[%add3A_6] : memref<322560xi32, #tpu.memory_space<hbm>> -> memref<80xi32, #tpu.memory_space<hbm>>
    tpu.enqueue_dma source(%dma_start3A_7 : memref<80xi32, #tpu.memory_space<hbm>>) target(%arg10 : memref<80xi32, #tpu.memory_space<vmem>>) target_semaphore(%arg23 : memref<!tpu.dma_semaphore, #tpu.memory_space<semaphore_mem>>)
    %dma_start3A_8 = tpu.memref_slice %arg4[%add3A_6] : memref<322560xi32, #tpu.memory_space<hbm>> -> memref<80xi32, #tpu.memory_space<hbm>>
    %dma_start3A_9 = tpu.memref_slice %arg4[%add3A_6] : memref<322560xi32, #tpu.memory_space<hbm>> -> memref<80xi32, #tpu.memory_space<hbm>>
    tpu.enqueue_dma source(%dma_start3A_9 : memref<80xi32, #tpu.memory_space<hbm>>) target(%arg13 : memref<80xi32, #tpu.memory_space<vmem>>) target_semaphore(%arg23 : memref<!tpu.dma_semaphore, #tpu.memory_space<semaphore_mem>>)
    %add3A_10 = arith.constant 80 : i32
    %add3A_11 = arith.addi %mul3A_2, %add3A_10 : i32
    %dma_start3A_12 = tpu.memref_slice %arg3[%add3A_11] : memref<322560xi32, #tpu.memory_space<hbm>> -> memref<80xi32, #tpu.memory_space<hbm>>
    %dma_start3A_13 = tpu.memref_slice %arg3[%add3A_11] : memref<322560xi32, #tpu.memory_space<hbm>> -> memref<80xi32, #tpu.memory_space<hbm>>
    tpu.enqueue_dma source(%dma_start3A_13 : memref<80xi32, #tpu.memory_space<hbm>>) target(%arg11 : memref<80xi32, #tpu.memory_space<vmem>>) target_semaphore(%arg24 : memref<!tpu.dma_semaphore, #tpu.memory_space<semaphore_mem>>)
    %dma_start3A_14 = tpu.memref_slice %arg4[%add3A_11] : memref<322560xi32, #tpu.memory_space<hbm>> -> memref<80xi32, #tpu.memory_space<hbm>>
    %dma_start3A_15 = tpu.memref_slice %arg4[%add3A_11] : memref<322560xi32, #tpu.memory_space<hbm>> -> memref<80xi32, #tpu.memory_space<hbm>>
    tpu.enqueue_dma source(%dma_start3A_15 : memref<80xi32, #tpu.memory_space<hbm>>) target(%arg14 : memref<80xi32, #tpu.memory_space<vmem>>) target_semaphore(%arg24 : memref<!tpu.dma_semaphore, #tpu.memory_space<semaphore_mem>>)
    %add3A_16 = arith.constant 160 : i32
    %add3A_17 = arith.addi %mul3A_2, %add3A_16 : i32
    %dma_start3A_18 = tpu.memref_slice %arg3[%add3A_17] : memref<322560xi32, #tpu.memory_space<hbm>> -> memref<80xi32, #tpu.memory_space<hbm>>
    %dma_start3A_19 = tpu.memref_slice %arg3[%add3A_17] : memref<322560xi32, #tpu.memory_space<hbm>> -> memref<80xi32, #tpu.memory_space<hbm>>
    tpu.enqueue_dma source(%dma_start3A_19 : memref<80xi32, #tpu.memory_space<hbm>>) target(%arg12 : memref<80xi32, #tpu.memory_space<vmem>>) target_semaphore(%arg25 : memref<!tpu.dma_semaphore, #tpu.memory_space<semaphore_mem>>)
    %dma_start3A_20 = tpu.memref_slice %arg4[%add3A_17] : memref<322560xi32, #tpu.memory_space<hbm>> -> memref<80xi32, #tpu.memory_space<hbm>>
    %dma_start3A_21 = tpu.memref_slice %arg4[%add3A_17] : memref<322560xi32, #tpu.memory_space<hbm>> -> memref<80xi32, #tpu.memory_space<hbm>>
    tpu.enqueue_dma source(%dma_start3A_21 : memref<80xi32, #tpu.memory_space<hbm>>) target(%arg15 : memref<80xi32, #tpu.memory_space<vmem>>) target_semaphore(%arg25 : memref<!tpu.dma_semaphore, #tpu.memory_space<semaphore_mem>>)
    %add3A_22 = arith.constant 0 : i32
    %add3A_23 = arith.addi %mul3A_2, %add3A_22 : i32
    %dma_wait3A = tpu.memref_slice %arg3[%add3A_23] : memref<322560xi32, #tpu.memory_space<hbm>> -> memref<80xi32, #tpu.memory_space<hbm>>
    %dma_wait3A_24 = tpu.memref_slice %arg3[%add3A_23] : memref<322560xi32, #tpu.memory_space<hbm>> -> memref<80xi32, #tpu.memory_space<hbm>>
    tpu.wait_dma2 semaphore(%arg23 : memref<!tpu.dma_semaphore, #tpu.memory_space<semaphore_mem>>) src(%dma_wait3A_24 : memref<80xi32, #tpu.memory_space<hbm>>) dst(%arg10 : memref<80xi32, #tpu.memory_space<vmem>>)
    %dma_wait3A_25 = tpu.memref_slice %arg4[%add3A_23] : memref<322560xi32, #tpu.memory_space<hbm>> -> memref<80xi32, #tpu.memory_space<hbm>>
    %dma_wait3A_26 = tpu.memref_slice %arg4[%add3A_23] : memref<322560xi32, #tpu.memory_space<hbm>> -> memref<80xi32, #tpu.memory_space<hbm>>
    tpu.wait_dma2 semaphore(%arg23 : memref<!tpu.dma_semaphore, #tpu.memory_space<semaphore_mem>>) src(%dma_wait3A_26 : memref<80xi32, #tpu.memory_space<hbm>>) dst(%arg13 : memref<80xi32, #tpu.memory_space<vmem>>)
    %dma_start3A_27 = arith.constant 0 : i32
    %dma_start3A_28 = arith.constant 0 : i32
    %dma_start3A_29 = tpu.memref_slice %arg2[%dma_start3A_27, %dma_start3A_28] : memref<10000x128xf32, #tpu.memory_space<hbm>> -> memref<10000x128xf32, #tpu.memory_space<hbm>>
    tpu.enqueue_indirect_dma source(%dma_start3A_29 : memref<10000x128xf32, #tpu.memory_space<hbm>>) target(%arg7 : memref<80x128xf32, #tpu.memory_space<vmem>>) offsets(%arg10 : memref<80xi32, #tpu.memory_space<vmem>>) semaphore(%arg17 : memref<!tpu.dma_semaphore, #tpu.memory_space<semaphore_mem>>)
    %add3A_30 = arith.constant 80 : i32
    %add3A_31 = arith.addi %mul3A_2, %add3A_30 : i32
    %dma_wait3A_32 = tpu.memref_slice %arg3[%add3A_31] : memref<322560xi32, #tpu.memory_space<hbm>> -> memref<80xi32, #tpu.memory_space<hbm>>
    %dma_wait3A_33 = tpu.memref_slice %arg3[%add3A_31] : memref<322560xi32, #tpu.memory_space<hbm>> -> memref<80xi32, #tpu.memory_space<hbm>>
    tpu.wait_dma2 semaphore(%arg24 : memref<!tpu.dma_semaphore, #tpu.memory_space<semaphore_mem>>) src(%dma_wait3A_33 : memref<80xi32, #tpu.memory_space<hbm>>) dst(%arg11 : memref<80xi32, #tpu.memory_space<vmem>>)
    %dma_wait3A_34 = tpu.memref_slice %arg4[%add3A_31] : memref<322560xi32, #tpu.memory_space<hbm>> -> memref<80xi32, #tpu.memory_space<hbm>>
    %dma_wait3A_35 = tpu.memref_slice %arg4[%add3A_31] : memref<322560xi32, #tpu.memory_space<hbm>> -> memref<80xi32, #tpu.memory_space<hbm>>
    tpu.wait_dma2 semaphore(%arg24 : memref<!tpu.dma_semaphore, #tpu.memory_space<semaphore_mem>>) src(%dma_wait3A_35 : memref<80xi32, #tpu.memory_space<hbm>>) dst(%arg14 : memref<80xi32, #tpu.memory_space<vmem>>)
    %dma_start3A_36 = arith.constant 0 : i32
    %dma_start3A_37 = arith.constant 0 : i32
    %dma_start3A_38 = tpu.memref_slice %arg2[%dma_start3A_36, %dma_start3A_37] : memref<10000x128xf32, #tpu.memory_space<hbm>> -> memref<10000x128xf32, #tpu.memory_space<hbm>>
    tpu.enqueue_indirect_dma source(%dma_start3A_38 : memref<10000x128xf32, #tpu.memory_space<hbm>>) target(%arg8 : memref<80x128xf32, #tpu.memory_space<vmem>>) offsets(%arg11 : memref<80xi32, #tpu.memory_space<vmem>>) semaphore(%arg18 : memref<!tpu.dma_semaphore, #tpu.memory_space<semaphore_mem>>)
    %add3A_39 = arith.constant 160 : i32
    %add3A_40 = arith.addi %mul3A_2, %add3A_39 : i32
    %dma_wait3A_41 = tpu.memref_slice %arg3[%add3A_40] : memref<322560xi32, #tpu.memory_space<hbm>> -> memref<80xi32, #tpu.memory_space<hbm>>
    %dma_wait3A_42 = tpu.memref_slice %arg3[%add3A_40] : memref<322560xi32, #tpu.memory_space<hbm>> -> memref<80xi32, #tpu.memory_space<hbm>>
    tpu.wait_dma2 semaphore(%arg25 : memref<!tpu.dma_semaphore, #tpu.memory_space<semaphore_mem>>) src(%dma_wait3A_42 : memref<80xi32, #tpu.memory_space<hbm>>) dst(%arg12 : memref<80xi32, #tpu.memory_space<vmem>>)
    %dma_wait3A_43 = tpu.memref_slice %arg4[%add3A_40] : memref<322560xi32, #tpu.memory_space<hbm>> -> memref<80xi32, #tpu.memory_space<hbm>>
    %dma_wait3A_44 = tpu.memref_slice %arg4[%add3A_40] : memref<322560xi32, #tpu.memory_space<hbm>> -> memref<80xi32, #tpu.memory_space<hbm>>
    tpu.wait_dma2 semaphore(%arg25 : memref<!tpu.dma_semaphore, #tpu.memory_space<semaphore_mem>>) src(%dma_wait3A_44 : memref<80xi32, #tpu.memory_space<hbm>>) dst(%arg15 : memref<80xi32, #tpu.memory_space<vmem>>)
    %dma_start3A_45 = arith.constant 0 : i32
    %dma_start3A_46 = arith.constant 0 : i32
    %dma_start3A_47 = tpu.memref_slice %arg2[%dma_start3A_45, %dma_start3A_46] : memref<10000x128xf32, #tpu.memory_space<hbm>> -> memref<10000x128xf32, #tpu.memory_space<hbm>>
    tpu.enqueue_indirect_dma source(%dma_start3A_47 : memref<10000x128xf32, #tpu.memory_space<hbm>>) target(%arg9 : memref<80x128xf32, #tpu.memory_space<vmem>>) offsets(%arg12 : memref<80xi32, #tpu.memory_space<vmem>>) semaphore(%arg19 : memref<!tpu.dma_semaphore, #tpu.memory_space<semaphore_mem>>)
    %scan3A = arith.constant 0 : i32
    %scan3A_48 = arith.constant 0 : i32
    %scan3A_49 = arith.constant 41 : i32
    %scan3A_50 = arith.addi %scan3A_48, %scan3A_49 : i32
    %scan3A_51 = arith.constant 1 : i32
    %scan3A_52 = scf.for %scan3A_89 = %scan3A_48 to %scan3A_50 step %scan3A_51 iter_args(%scan3A_90 = %scan3A) -> (i32)  : i32 {
      %mul3A_91 = arith.constant 3 : i32
      %mul3A_92 = arith.muli %mul3A_91, %scan3A_89 : i32
      %dma_wait3A_93 = arith.constant 0 : i32
      %dma_wait3A_94 = arith.constant 0 : i32
      %dma_wait3A_95 = tpu.memref_slice %arg2[%dma_wait3A_93, %dma_wait3A_94] : memref<10000x128xf32, #tpu.memory_space<hbm>> -> memref<10000x128xf32, #tpu.memory_space<hbm>>
      tpu.wait_indirect_dma semaphore(%arg17 : memref<!tpu.dma_semaphore, #tpu.memory_space<semaphore_mem>>) src(%dma_wait3A_95 : memref<10000x128xf32, #tpu.memory_space<hbm>>) dst(%arg7 : memref<80x128xf32, #tpu.memory_space<vmem>>)
      %dma_start3A_96 = arith.constant 0 : i32
      %dma_start3A_97 = arith.constant 0 : i32
      %dma_start3A_98 = tpu.memref_slice %arg16[%dma_start3A_96, %dma_start3A_97] : memref<10112x128xf32, #tpu.memory_space<vmem_shared>> -> memref<10112x128xf32, #tpu.memory_space<vmem_shared>>
      tpu.enqueue_indirect_dma source(%arg7 : memref<80x128xf32, #tpu.memory_space<vmem>>) target(%dma_start3A_98 : memref<10112x128xf32, #tpu.memory_space<vmem_shared>>) offsets(%arg13 : memref<80xi32, #tpu.memory_space<vmem>>) semaphore(%arg20 : memref<!tpu.dma_semaphore, #tpu.memory_space<semaphore_mem>>) {add = true}
      %dma_wait3A_99 = arith.constant 0 : i32
      %dma_wait3A_100 = arith.constant 0 : i32
      %dma_wait3A_101 = tpu.memref_slice %arg2[%dma_wait3A_99, %dma_wait3A_100] : memref<10000x128xf32, #tpu.memory_space<hbm>> -> memref<10000x128xf32, #tpu.memory_space<hbm>>
      tpu.wait_indirect_dma semaphore(%arg18 : memref<!tpu.dma_semaphore, #tpu.memory_space<semaphore_mem>>) src(%dma_wait3A_101 : memref<10000x128xf32, #tpu.memory_space<hbm>>) dst(%arg8 : memref<80x128xf32, #tpu.memory_space<vmem>>)
      %dma_start3A_102 = arith.constant 0 : i32
      %dma_start3A_103 = arith.constant 0 : i32
      %dma_start3A_104 = tpu.memref_slice %arg16[%dma_start3A_102, %dma_start3A_103] : memref<10112x128xf32, #tpu.memory_space<vmem_shared>> -> memref<10112x128xf32, #tpu.memory_space<vmem_shared>>
      tpu.enqueue_indirect_dma source(%arg8 : memref<80x128xf32, #tpu.memory_space<vmem>>) target(%dma_start3A_104 : memref<10112x128xf32, #tpu.memory_space<vmem_shared>>) offsets(%arg14 : memref<80xi32, #tpu.memory_space<vmem>>) semaphore(%arg21 : memref<!tpu.dma_semaphore, #tpu.memory_space<semaphore_mem>>) {add = true}
      %dma_wait3A_105 = arith.constant 0 : i32
      %dma_wait3A_106 = arith.constant 0 : i32
      %dma_wait3A_107 = tpu.memref_slice %arg16[%dma_wait3A_105, %dma_wait3A_106] : memref<10112x128xf32, #tpu.memory_space<vmem_shared>> -> memref<10112x128xf32, #tpu.memory_space<vmem_shared>>
      tpu.wait_indirect_dma semaphore(%arg20 : memref<!tpu.dma_semaphore, #tpu.memory_space<semaphore_mem>>) src(%arg7 : memref<80x128xf32, #tpu.memory_space<vmem>>) dst(%dma_wait3A_107 : memref<10112x128xf32, #tpu.memory_space<vmem_shared>>)
      %add3A_108 = arith.constant 3 : i32
      %add3A_109 = arith.addi %mul3A_92, %add3A_108 : i32
      %mul3A_110 = arith.constant 80 : i32
      %mul3A_111 = arith.muli %add3A_109, %mul3A_110 : i32
      %add3A_112 = arith.addi %mul3A_2, %mul3A_111 : i32
      %dma_start3A_113 = tpu.memref_slice %arg3[%add3A_112] : memref<322560xi32, #tpu.memory_space<hbm>> -> memref<80xi32, #tpu.memory_space<hbm>>
      %dma_start3A_114 = tpu.memref_slice %arg3[%add3A_112] : memref<322560xi32, #tpu.memory_space<hbm>> -> memref<80xi32, #tpu.memory_space<hbm>>
      tpu.enqueue_dma source(%dma_start3A_114 : memref<80xi32, #tpu.memory_space<hbm>>) target(%arg10 : memref<80xi32, #tpu.memory_space<vmem>>) target_semaphore(%arg23 : memref<!tpu.dma_semaphore, #tpu.memory_space<semaphore_mem>>)
      %dma_start3A_115 = tpu.memref_slice %arg4[%add3A_112] : memref<322560xi32, #tpu.memory_space<hbm>> -> memref<80xi32, #tpu.memory_space<hbm>>
      %dma_start3A_116 = tpu.memref_slice %arg4[%add3A_112] : memref<322560xi32, #tpu.memory_space<hbm>> -> memref<80xi32, #tpu.memory_space<hbm>>
      tpu.enqueue_dma source(%dma_start3A_116 : memref<80xi32, #tpu.memory_space<hbm>>) target(%arg13 : memref<80xi32, #tpu.memory_space<vmem>>) target_semaphore(%arg23 : memref<!tpu.dma_semaphore, #tpu.memory_space<semaphore_mem>>)
      %dma_wait3A_117 = arith.constant 0 : i32
      %dma_wait3A_118 = arith.constant 0 : i32
      %dma_wait3A_119 = tpu.memref_slice %arg2[%dma_wait3A_117, %dma_wait3A_118] : memref<10000x128xf32, #tpu.memory_space<hbm>> -> memref<10000x128xf32, #tpu.memory_space<hbm>>
      tpu.wait_indirect_dma semaphore(%arg19 : memref<!tpu.dma_semaphore, #tpu.memory_space<semaphore_mem>>) src(%dma_wait3A_119 : memref<10000x128xf32, #tpu.memory_space<hbm>>) dst(%arg9 : memref<80x128xf32, #tpu.memory_space<vmem>>)
      %dma_start3A_120 = arith.constant 0 : i32
      %dma_start3A_121 = arith.constant 0 : i32
      %dma_start3A_122 = tpu.memref_slice %arg16[%dma_start3A_120, %dma_start3A_121] : memref<10112x128xf32, #tpu.memory_space<vmem_shared>> -> memref<10112x128xf32, #tpu.memory_space<vmem_shared>>
      tpu.enqueue_indirect_dma source(%arg9 : memref<80x128xf32, #tpu.memory_space<vmem>>) target(%dma_start3A_122 : memref<10112x128xf32, #tpu.memory_space<vmem_shared>>) offsets(%arg15 : memref<80xi32, #tpu.memory_space<vmem>>) semaphore(%arg22 : memref<!tpu.dma_semaphore, #tpu.memory_space<semaphore_mem>>) {add = true}
      %dma_wait3A_123 = arith.constant 0 : i32
      %dma_wait3A_124 = arith.constant 0 : i32
      %dma_wait3A_125 = tpu.memref_slice %arg16[%dma_wait3A_123, %dma_wait3A_124] : memref<10112x128xf32, #tpu.memory_space<vmem_shared>> -> memref<10112x128xf32, #tpu.memory_space<vmem_shared>>
      tpu.wait_indirect_dma semaphore(%arg21 : memref<!tpu.dma_semaphore, #tpu.memory_space<semaphore_mem>>) src(%arg8 : memref<80x128xf32, #tpu.memory_space<vmem>>) dst(%dma_wait3A_125 : memref<10112x128xf32, #tpu.memory_space<vmem_shared>>)
      %add3A_126 = arith.constant 4 : i32
      %add3A_127 = arith.addi %mul3A_92, %add3A_126 : i32
      %mul3A_128 = arith.constant 80 : i32
      %mul3A_129 = arith.muli %add3A_127, %mul3A_128 : i32
      %add3A_130 = arith.addi %mul3A_2, %mul3A_129 : i32
      %dma_start3A_131 = tpu.memref_slice %arg3[%add3A_130] : memref<322560xi32, #tpu.memory_space<hbm>> -> memref<80xi32, #tpu.memory_space<hbm>>
      %dma_start3A_132 = tpu.memref_slice %arg3[%add3A_130] : memref<322560xi32, #tpu.memory_space<hbm>> -> memref<80xi32, #tpu.memory_space<hbm>>
      tpu.enqueue_dma source(%dma_start3A_132 : memref<80xi32, #tpu.memory_space<hbm>>) target(%arg11 : memref<80xi32, #tpu.memory_space<vmem>>) target_semaphore(%arg24 : memref<!tpu.dma_semaphore, #tpu.memory_space<semaphore_mem>>)
      %dma_start3A_133 = tpu.memref_slice %arg4[%add3A_130] : memref<322560xi32, #tpu.memory_space<hbm>> -> memref<80xi32, #tpu.memory_space<hbm>>
      %dma_start3A_134 = tpu.memref_slice %arg4[%add3A_130] : memref<322560xi32, #tpu.memory_space<hbm>> -> memref<80xi32, #tpu.memory_space<hbm>>
      tpu.enqueue_dma source(%dma_start3A_134 : memref<80xi32, #tpu.memory_space<hbm>>) target(%arg14 : memref<80xi32, #tpu.memory_space<vmem>>) target_semaphore(%arg24 : memref<!tpu.dma_semaphore, #tpu.memory_space<semaphore_mem>>)
      %add3A_135 = arith.constant 3 : i32
      %add3A_136 = arith.addi %mul3A_92, %add3A_135 : i32
      %mul3A_137 = arith.constant 80 : i32
      %mul3A_138 = arith.muli %add3A_136, %mul3A_137 : i32
      %add3A_139 = arith.addi %mul3A_2, %mul3A_138 : i32
      %dma_wait3A_140 = tpu.memref_slice %arg3[%add3A_139] : memref<322560xi32, #tpu.memory_space<hbm>> -> memref<80xi32, #tpu.memory_space<hbm>>
      %dma_wait3A_141 = tpu.memref_slice %arg3[%add3A_139] : memref<322560xi32, #tpu.memory_space<hbm>> -> memref<80xi32, #tpu.memory_space<hbm>>
      tpu.wait_dma2 semaphore(%arg23 : memref<!tpu.dma_semaphore, #tpu.memory_space<semaphore_mem>>) src(%dma_wait3A_141 : memref<80xi32, #tpu.memory_space<hbm>>) dst(%arg10 : memref<80xi32, #tpu.memory_space<vmem>>)
      %dma_wait3A_142 = tpu.memref_slice %arg4[%add3A_139] : memref<322560xi32, #tpu.memory_space<hbm>> -> memref<80xi32, #tpu.memory_space<hbm>>
      %dma_wait3A_143 = tpu.memref_slice %arg4[%add3A_139] : memref<322560xi32, #tpu.memory_space<hbm>> -> memref<80xi32, #tpu.memory_space<hbm>>
      tpu.wait_dma2 semaphore(%arg23 : memref<!tpu.dma_semaphore, #tpu.memory_space<semaphore_mem>>) src(%dma_wait3A_143 : memref<80xi32, #tpu.memory_space<hbm>>) dst(%arg13 : memref<80xi32, #tpu.memory_space<vmem>>)
      %dma_start3A_144 = arith.constant 0 : i32
      %dma_start3A_145 = arith.constant 0 : i32
      %dma_start3A_146 = tpu.memref_slice %arg2[%dma_start3A_144, %dma_start3A_145] : memref<10000x128xf32, #tpu.memory_space<hbm>> -> memref<10000x128xf32, #tpu.memory_space<hbm>>
      tpu.enqueue_indirect_dma source(%dma_start3A_146 : memref<10000x128xf32, #tpu.memory_space<hbm>>) target(%arg7 : memref<80x128xf32, #tpu.memory_space<vmem>>) offsets(%arg10 : memref<80xi32, #tpu.memory_space<vmem>>) semaphore(%arg17 : memref<!tpu.dma_semaphore, #tpu.memory_space<semaphore_mem>>)
      %dma_wait3A_147 = arith.constant 0 : i32
      %dma_wait3A_148 = arith.constant 0 : i32
      %dma_wait3A_149 = tpu.memref_slice %arg16[%dma_wait3A_147, %dma_wait3A_148] : memref<10112x128xf32, #tpu.memory_space<vmem_shared>> -> memref<10112x128xf32, #tpu.memory_space<vmem_shared>>
      tpu.wait_indirect_dma semaphore(%arg22 : memref<!tpu.dma_semaphore, #tpu.memory_space<semaphore_mem>>) src(%arg9 : memref<80x128xf32, #tpu.memory_space<vmem>>) dst(%dma_wait3A_149 : memref<10112x128xf32, #tpu.memory_space<vmem_shared>>)
      %add3A_150 = arith.constant 5 : i32
      %add3A_151 = arith.addi %mul3A_92, %add3A_150 : i32
      %mul3A_152 = arith.constant 80 : i32
      %mul3A_153 = arith.muli %add3A_151, %mul3A_152 : i32
      %add3A_154 = arith.addi %mul3A_2, %mul3A_153 : i32
      %dma_start3A_155 = tpu.memref_slice %arg3[%add3A_154] : memref<322560xi32, #tpu.memory_space<hbm>> -> memref<80xi32, #tpu.memory_space<hbm>>
      %dma_start3A_156 = tpu.memref_slice %arg3[%add3A_154] : memref<322560xi32, #tpu.memory_space<hbm>> -> memref<80xi32, #tpu.memory_space<hbm>>
      tpu.enqueue_dma source(%dma_start3A_156 : memref<80xi32, #tpu.memory_space<hbm>>) target(%arg12 : memref<80xi32, #tpu.memory_space<vmem>>) target_semaphore(%arg25 : memref<!tpu.dma_semaphore, #tpu.memory_space<semaphore_mem>>)
      %dma_start3A_157 = tpu.memref_slice %arg4[%add3A_154] : memref<322560xi32, #tpu.memory_space<hbm>> -> memref<80xi32, #tpu.memory_space<hbm>>
      %dma_start3A_158 = tpu.memref_slice %arg4[%add3A_154] : memref<322560xi32, #tpu.memory_space<hbm>> -> memref<80xi32, #tpu.memory_space<hbm>>
      tpu.enqueue_dma source(%dma_start3A_158 : memref<80xi32, #tpu.memory_space<hbm>>) target(%arg15 : memref<80xi32, #tpu.memory_space<vmem>>) target_semaphore(%arg25 : memref<!tpu.dma_semaphore, #tpu.memory_space<semaphore_mem>>)
      %add3A_159 = arith.constant 4 : i32
      %add3A_160 = arith.addi %mul3A_92, %add3A_159 : i32
      %mul3A_161 = arith.constant 80 : i32
      %mul3A_162 = arith.muli %add3A_160, %mul3A_161 : i32
      %add3A_163 = arith.addi %mul3A_2, %mul3A_162 : i32
      %dma_wait3A_164 = tpu.memref_slice %arg3[%add3A_163] : memref<322560xi32, #tpu.memory_space<hbm>> -> memref<80xi32, #tpu.memory_space<hbm>>
      %dma_wait3A_165 = tpu.memref_slice %arg3[%add3A_163] : memref<322560xi32, #tpu.memory_space<hbm>> -> memref<80xi32, #tpu.memory_space<hbm>>
      tpu.wait_dma2 semaphore(%arg24 : memref<!tpu.dma_semaphore, #tpu.memory_space<semaphore_mem>>) src(%dma_wait3A_165 : memref<80xi32, #tpu.memory_space<hbm>>) dst(%arg11 : memref<80xi32, #tpu.memory_space<vmem>>)
      %dma_wait3A_166 = tpu.memref_slice %arg4[%add3A_163] : memref<322560xi32, #tpu.memory_space<hbm>> -> memref<80xi32, #tpu.memory_space<hbm>>
      %dma_wait3A_167 = tpu.memref_slice %arg4[%add3A_163] : memref<322560xi32, #tpu.memory_space<hbm>> -> memref<80xi32, #tpu.memory_space<hbm>>
      tpu.wait_dma2 semaphore(%arg24 : memref<!tpu.dma_semaphore, #tpu.memory_space<semaphore_mem>>) src(%dma_wait3A_167 : memref<80xi32, #tpu.memory_space<hbm>>) dst(%arg14 : memref<80xi32, #tpu.memory_space<vmem>>)
      %dma_start3A_168 = arith.constant 0 : i32
      %dma_start3A_169 = arith.constant 0 : i32
      %dma_start3A_170 = tpu.memref_slice %arg2[%dma_start3A_168, %dma_start3A_169] : memref<10000x128xf32, #tpu.memory_space<hbm>> -> memref<10000x128xf32, #tpu.memory_space<hbm>>
      tpu.enqueue_indirect_dma source(%dma_start3A_170 : memref<10000x128xf32, #tpu.memory_space<hbm>>) target(%arg8 : memref<80x128xf32, #tpu.memory_space<vmem>>) offsets(%arg11 : memref<80xi32, #tpu.memory_space<vmem>>) semaphore(%arg18 : memref<!tpu.dma_semaphore, #tpu.memory_space<semaphore_mem>>)
      %add3A_171 = arith.constant 5 : i32
      %add3A_172 = arith.addi %mul3A_92, %add3A_171 : i32
      %mul3A_173 = arith.constant 80 : i32
      %mul3A_174 = arith.muli %add3A_172, %mul3A_173 : i32
      %add3A_175 = arith.addi %mul3A_2, %mul3A_174 : i32
      %dma_wait3A_176 = tpu.memref_slice %arg3[%add3A_175] : memref<322560xi32, #tpu.memory_space<hbm>> -> memref<80xi32, #tpu.memory_space<hbm>>
      %dma_wait3A_177 = tpu.memref_slice %arg3[%add3A_175] : memref<322560xi32, #tpu.memory_space<hbm>> -> memref<80xi32, #tpu.memory_space<hbm>>
      tpu.wait_dma2 semaphore(%arg25 : memref<!tpu.dma_semaphore, #tpu.memory_space<semaphore_mem>>) src(%dma_wait3A_177 : memref<80xi32, #tpu.memory_space<hbm>>) dst(%arg12 : memref<80xi32, #tpu.memory_space<vmem>>)
      %dma_wait3A_178 = tpu.memref_slice %arg4[%add3A_175] : memref<322560xi32, #tpu.memory_space<hbm>> -> memref<80xi32, #tpu.memory_space<hbm>>
      %dma_wait3A_179 = tpu.memref_slice %arg4[%add3A_175] : memref<322560xi32, #tpu.memory_space<hbm>> -> memref<80xi32, #tpu.memory_space<hbm>>
      tpu.wait_dma2 semaphore(%arg25 : memref<!tpu.dma_semaphore, #tpu.memory_space<semaphore_mem>>) src(%dma_wait3A_179 : memref<80xi32, #tpu.memory_space<hbm>>) dst(%arg15 : memref<80xi32, #tpu.memory_space<vmem>>)
      %dma_start3A_180 = arith.constant 0 : i32
      %dma_start3A_181 = arith.constant 0 : i32
      %dma_start3A_182 = tpu.memref_slice %arg2[%dma_start3A_180, %dma_start3A_181] : memref<10000x128xf32, #tpu.memory_space<hbm>> -> memref<10000x128xf32, #tpu.memory_space<hbm>>
      tpu.enqueue_indirect_dma source(%dma_start3A_182 : memref<10000x128xf32, #tpu.memory_space<hbm>>) target(%arg9 : memref<80x128xf32, #tpu.memory_space<vmem>>) offsets(%arg12 : memref<80xi32, #tpu.memory_space<vmem>>) semaphore(%arg19 : memref<!tpu.dma_semaphore, #tpu.memory_space<semaphore_mem>>)
      %scan3A_183 = arith.constant 0 : i32
      scf.yield %scan3A_183 : i32
    }
    %scan3A_53 = arith.constant 41 : i32
    %dma_wait3A_54 = arith.constant 0 : i32
    %dma_wait3A_55 = arith.constant 0 : i32
    %dma_wait3A_56 = tpu.memref_slice %arg2[%dma_wait3A_54, %dma_wait3A_55] : memref<10000x128xf32, #tpu.memory_space<hbm>> -> memref<10000x128xf32, #tpu.memory_space<hbm>>
    tpu.wait_indirect_dma semaphore(%arg17 : memref<!tpu.dma_semaphore, #tpu.memory_space<semaphore_mem>>) src(%dma_wait3A_56 : memref<10000x128xf32, #tpu.memory_space<hbm>>) dst(%arg7 : memref<80x128xf32, #tpu.memory_space<vmem>>)
    %dma_start3A_57 = arith.constant 0 : i32
    %dma_start3A_58 = arith.constant 0 : i32
    %dma_start3A_59 = tpu.memref_slice %arg16[%dma_start3A_57, %dma_start3A_58] : memref<10112x128xf32, #tpu.memory_space<vmem_shared>> -> memref<10112x128xf32, #tpu.memory_space<vmem_shared>>
    tpu.enqueue_indirect_dma source(%arg7 : memref<80x128xf32, #tpu.memory_space<vmem>>) target(%dma_start3A_59 : memref<10112x128xf32, #tpu.memory_space<vmem_shared>>) offsets(%arg13 : memref<80xi32, #tpu.memory_space<vmem>>) semaphore(%arg20 : memref<!tpu.dma_semaphore, #tpu.memory_space<semaphore_mem>>) {add = true}
    %dma_wait3A_60 = arith.constant 0 : i32
    %dma_wait3A_61 = arith.constant 0 : i32
    %dma_wait3A_62 = tpu.memref_slice %arg2[%dma_wait3A_60, %dma_wait3A_61] : memref<10000x128xf32, #tpu.memory_space<hbm>> -> memref<10000x128xf32, #tpu.memory_space<hbm>>
    tpu.wait_indirect_dma semaphore(%arg18 : memref<!tpu.dma_semaphore, #tpu.memory_space<semaphore_mem>>) src(%dma_wait3A_62 : memref<10000x128xf32, #tpu.memory_space<hbm>>) dst(%arg8 : memref<80x128xf32, #tpu.memory_space<vmem>>)
    %dma_start3A_63 = arith.constant 0 : i32
    %dma_start3A_64 = arith.constant 0 : i32
    %dma_start3A_65 = tpu.memref_slice %arg16[%dma_start3A_63, %dma_start3A_64] : memref<10112x128xf32, #tpu.memory_space<vmem_shared>> -> memref<10112x128xf32, #tpu.memory_space<vmem_shared>>
    tpu.enqueue_indirect_dma source(%arg8 : memref<80x128xf32, #tpu.memory_space<vmem>>) target(%dma_start3A_65 : memref<10112x128xf32, #tpu.memory_space<vmem_shared>>) offsets(%arg14 : memref<80xi32, #tpu.memory_space<vmem>>) semaphore(%arg21 : memref<!tpu.dma_semaphore, #tpu.memory_space<semaphore_mem>>) {add = true}
    %dma_wait3A_66 = arith.constant 0 : i32
    %dma_wait3A_67 = arith.constant 0 : i32
    %dma_wait3A_68 = tpu.memref_slice %arg2[%dma_wait3A_66, %dma_wait3A_67] : memref<10000x128xf32, #tpu.memory_space<hbm>> -> memref<10000x128xf32, #tpu.memory_space<hbm>>
    tpu.wait_indirect_dma semaphore(%arg19 : memref<!tpu.dma_semaphore, #tpu.memory_space<semaphore_mem>>) src(%dma_wait3A_68 : memref<10000x128xf32, #tpu.memory_space<hbm>>) dst(%arg9 : memref<80x128xf32, #tpu.memory_space<vmem>>)
    %dma_start3A_69 = arith.constant 0 : i32
    %dma_start3A_70 = arith.constant 0 : i32
    %dma_start3A_71 = tpu.memref_slice %arg16[%dma_start3A_69, %dma_start3A_70] : memref<10112x128xf32, #tpu.memory_space<vmem_shared>> -> memref<10112x128xf32, #tpu.memory_space<vmem_shared>>
    tpu.enqueue_indirect_dma source(%arg9 : memref<80x128xf32, #tpu.memory_space<vmem>>) target(%dma_start3A_71 : memref<10112x128xf32, #tpu.memory_space<vmem_shared>>) offsets(%arg15 : memref<80xi32, #tpu.memory_space<vmem>>) semaphore(%arg22 : memref<!tpu.dma_semaphore, #tpu.memory_space<semaphore_mem>>) {add = true}
    %dma_wait3A_72 = arith.constant 0 : i32
    %dma_wait3A_73 = arith.constant 0 : i32
    %dma_wait3A_74 = tpu.memref_slice %arg16[%dma_wait3A_72, %dma_wait3A_73] : memref<10112x128xf32, #tpu.memory_space<vmem_shared>> -> memref<10112x128xf32, #tpu.memory_space<vmem_shared>>
    tpu.wait_indirect_dma semaphore(%arg20 : memref<!tpu.dma_semaphore, #tpu.memory_space<semaphore_mem>>) src(%arg7 : memref<80x128xf32, #tpu.memory_space<vmem>>) dst(%dma_wait3A_74 : memref<10112x128xf32, #tpu.memory_space<vmem_shared>>)
    %dma_wait3A_75 = arith.constant 0 : i32
    %dma_wait3A_76 = arith.constant 0 : i32
    %dma_wait3A_77 = tpu.memref_slice %arg16[%dma_wait3A_75, %dma_wait3A_76] : memref<10112x128xf32, #tpu.memory_space<vmem_shared>> -> memref<10112x128xf32, #tpu.memory_space<vmem_shared>>
    tpu.wait_indirect_dma semaphore(%arg21 : memref<!tpu.dma_semaphore, #tpu.memory_space<semaphore_mem>>) src(%arg8 : memref<80x128xf32, #tpu.memory_space<vmem>>) dst(%dma_wait3A_77 : memref<10112x128xf32, #tpu.memory_space<vmem_shared>>)
    %dma_wait3A_78 = arith.constant 0 : i32
    %dma_wait3A_79 = arith.constant 0 : i32
    %dma_wait3A_80 = tpu.memref_slice %arg16[%dma_wait3A_78, %dma_wait3A_79] : memref<10112x128xf32, #tpu.memory_space<vmem_shared>> -> memref<10112x128xf32, #tpu.memory_space<vmem_shared>>
    tpu.wait_indirect_dma semaphore(%arg22 : memref<!tpu.dma_semaphore, #tpu.memory_space<semaphore_mem>>) src(%arg9 : memref<80x128xf32, #tpu.memory_space<vmem>>) dst(%dma_wait3A_80 : memref<10112x128xf32, #tpu.memory_space<vmem_shared>>)
    %barrier3A_81 = arith.constant 0 : index
    tpu.barrier barrier_id(%barrier3A_81)
    %mul3A_82 = arith.constant 632 : i32
    %mul3A_83 = arith.muli %arg1, %mul3A_82 : i32
    %mul3A_84 = arith.constant 10112 : i32
    %mul3A_85 = arith.muli %arg0, %mul3A_84 : i32
    %mul3A_86 = arith.constant 632 : i32
    %mul3A_87 = arith.muli %arg1, %mul3A_86 : i32
    %add3A_88 = arith.addi %mul3A_85, %mul3A_87 : i32
    "tpu.region"() ({
      %run_scoped3A = tpu.sem_alloc : memref<!tpu.dma_semaphore, #tpu.memory_space<semaphore_mem>>
      %dma_start3A_89 = arith.constant 0 : i32
      %dma_start3A_90 = tpu.memref_slice %arg6[%add3A_88, %dma_start3A_89] : memref<20224x128xf32, #tpu.memory_space<hbm>> -> memref<632x128xf32, #tpu.memory_space<hbm>>
      %dma_start3A_91 = arith.constant 0 : i32
      %dma_start3A_92 = tpu.memref_slice %arg16[%mul3A_83, %dma_start3A_91] : memref<10112x128xf32, #tpu.memory_space<vmem_shared>> -> memref<632x128xf32, #tpu.memory_space<vmem_shared>>
      tpu.enqueue_dma source(%dma_start3A_92 : memref<632x128xf32, #tpu.memory_space<vmem_shared>>) target(%dma_start3A_90 : memref<632x128xf32, #tpu.memory_space<hbm>>) target_semaphore(%run_scoped3A : memref<!tpu.dma_semaphore, #tpu.memory_space<semaphore_mem>>)
      %dma_wait3A_93 = arith.constant 0 : i32
      %dma_wait3A_94 = tpu.memref_slice %arg6[%add3A_88, %dma_wait3A_93] : memref<20224x128xf32, #tpu.memory_space<hbm>> -> memref<632x128xf32, #tpu.memory_space<hbm>>
      %dma_wait3A_95 = arith.constant 0 : i32
      %dma_wait3A_96 = tpu.memref_slice %arg16[%mul3A_83, %dma_wait3A_95] : memref<10112x128xf32, #tpu.memory_space<vmem_shared>> -> memref<632x128xf32, #tpu.memory_space<vmem_shared>>
      tpu.wait_dma2 semaphore(%run_scoped3A : memref<!tpu.dma_semaphore, #tpu.memory_space<semaphore_mem>>) src(%dma_wait3A_96 : memref<632x128xf32, #tpu.memory_space<vmem_shared>>) dst(%dma_wait3A_94 : memref<632x128xf32, #tpu.memory_space<hbm>>)
      tpu.yield
    }) : () -> ()
    return
  }
}

module attributes {stable_mosaic.version = 14 : i64} {
  func.func @_tc_a_body(%arg0: i32, %arg1: memref<1000x128xf32, #tpu.memory_space<vmem>>, %arg2: memref<128x128xf32, #tpu.memory_space<vmem>>, %arg3: memref<2x1000x16xf32, #tpu.memory_space<vmem>>, %arg4: memref<1000x128xf32, #tpu.memory_space<vmem>>) attributes {dimension_semantics = [#tpu.dimension_semantics<arbitrary>], iteration_bounds = array<i64: 10>, scalar_prefetch = 0 : i64, scratch_operands = 0 : i64, tpu.core_type = #tpu.core_type<tc>, window_params = [{transform_indices = @transform_0, window_bounds = array<i64: 1000, 128>}, {pipeline_mode = #tpu.pipeline_mode<synchronous>, transform_indices = @transform_1, window_bounds = array<i64: 128, 128>}, {transform_indices = @transform_2, window_bounds = array<i64: 2, 1000, 16>}, {transform_indices = @transform_3, window_bounds = array<i64: 1000, 128>}]} {
    %get3A = arith.constant 0 : index
    %get3A_0 = arith.constant 0 : index
    %get3A_1 = vector.load %arg1[%get3A, %get3A_0] : memref<1000x128xf32, #tpu.memory_space<vmem>>, vector<1000x128xf32>
    %get3A_2 = arith.constant 0 : index
    %get3A_3 = arith.constant 0 : index
    %get3A_4 = vector.load %arg2[%get3A_2, %get3A_3] : memref<128x128xf32, #tpu.memory_space<vmem>>, vector<128x128xf32>
    %dot_general3A = arith.constant dense<0.000000e+00> : vector<1000x128xf32>
    %dot_general3A_5 = tpu.matmul %get3A_1, %get3A_4, %dot_general3A {dimension_numbers = #tpu.dot_dimension_numbers<[1], [0], [0], [1], [0, 0, 1, 1], [], []>, transpose_lhs_hint = false} : vector<1000x128xf32>, vector<128x128xf32>, vector<1000x128xf32> -> vector<1000x128xf32>
    %get3A_6 = arith.constant 0 : index
    %get3A_7 = arith.constant 0 : index
    %get3A_8 = arith.constant 0 : index
    %get3A_9 = vector.load %arg3[%get3A_6, %get3A_7, %get3A_8] : memref<2x1000x16xf32, #tpu.memory_space<vmem>>, vector<1x1000x1xf32>
    %get3A_10 = vector.shape_cast %get3A_9 : vector<1x1000x1xf32> to vector<1000x1xf32>
    %add3A = arith.constant 1.000000e+00 : f32
    %add3A_11 = vector.broadcast %add3A : f32 to vector<1000x1xf32>
    %add3A_12 = arith.addf %add3A_11, %get3A_10 : vector<1000x1xf32>
    %get3A_13 = arith.constant 1 : index
    %get3A_14 = arith.constant 0 : index
    %get3A_15 = arith.constant 0 : index
    %get3A_16 = vector.load %arg3[%get3A_13, %get3A_14, %get3A_15] : memref<2x1000x16xf32, #tpu.memory_space<vmem>>, vector<1x1000x1xf32>
    %get3A_17 = vector.shape_cast %get3A_16 : vector<1x1000x1xf32> to vector<1000x1xf32>
    %add3A_18 = arith.addf %add3A_12, %get3A_17 : vector<1000x1xf32>
    %rsqrt3A = math.rsqrt %add3A_18 : vector<1000x1xf32>
    %broadcast_in_dim3A = vector.shape_cast %rsqrt3A : vector<1000x1xf32> to vector<1000x1xf32>
    %broadcast_in_dim3A_19 = vector.broadcast %broadcast_in_dim3A : vector<1000x1xf32> to vector<1000x128xf32>
    %mul3A = arith.mulf %dot_general3A_5, %broadcast_in_dim3A_19 : vector<1000x128xf32>
    %swap3A = arith.constant 0 : index
    %swap3A_20 = arith.constant 0 : index
    %swap3A_21 = vector.load %arg4[%swap3A, %swap3A_20] : memref<1000x128xf32, #tpu.memory_space<vmem>>, vector<1000x128xf32>
    tpu.vector_store %arg4[%swap3A, %swap3A_20], %mul3A {strides = array<i32>} : memref<1000x128xf32, #tpu.memory_space<vmem>>, vector<1000x128xf32>,
    return
  }
  func.func @transform_0(%arg0: i32) -> (i32, i32) {
    %c0_i32 = arith.constant 0 : i32
    %c0_i32_0 = arith.constant 0 : i32
    return %arg0, %c0_i32 : i32, i32
  }
  func.func @transform_1(%arg0: i32) -> (i32, i32) {
    %c0_i32 = arith.constant 0 : i32
    %c0_i32_0 = arith.constant 0 : i32
    %c0_i32_1 = arith.constant 0 : i32
    return %c0_i32, %c0_i32_0 : i32, i32
  }
  func.func @transform_2(%arg0: i32) -> (i32, i32, i32) {
    %c0_i32 = arith.constant 0 : i32
    %c0_i32_0 = arith.constant 0 : i32
    %c0_i32_1 = arith.constant 0 : i32
    return %c0_i32, %arg0, %c0_i32_0 : i32, i32, i32
  }
  func.func @transform_3(%arg0: i32) -> (i32, i32) {
    %c0_i32 = arith.constant 0 : i32
    %c0_i32_0 = arith.constant 0 : i32
    return %arg0, %c0_i32 : i32, i32
  }
}

module attributes {stable_mosaic.version = 14 : i64} {
  func.func @_tc_b_body(%arg0: i32, %arg1: memref<2x1000x128xf32, #tpu.memory_space<vmem>>, %arg2: memref<1000x128xf32, #tpu.memory_space<vmem>>, %arg3: memref<2x1000x16xf32, #tpu.memory_space<vmem>>, %arg4: memref<1x128xf32, #tpu.memory_space<vmem>>, %arg5: memref<128x128xf32, #tpu.memory_space<vmem>>, %arg6: memref<1000x128xf32, #tpu.memory_space<vmem>>) attributes {dimension_semantics = [#tpu.dimension_semantics<arbitrary>], iteration_bounds = array<i64: 10>, scalar_prefetch = 0 : i64, scratch_operands = 0 : i64, tpu.core_type = #tpu.core_type<tc>, window_params = [{transform_indices = @transform_0, window_bounds = array<i64: 2, 1000, 128>}, {transform_indices = @transform_1, window_bounds = array<i64: 1000, 128>}, {transform_indices = @transform_2, window_bounds = array<i64: 2, 1000, 16>}, {pipeline_mode = #tpu.pipeline_mode<synchronous>, transform_indices = @transform_3, window_bounds = array<i64: 1, 128>}, {pipeline_mode = #tpu.pipeline_mode<synchronous>, transform_indices = @transform_4, window_bounds = array<i64: 128, 128>}, {transform_indices = @transform_5, window_bounds = array<i64: 1000, 128>}]} {
    %get3A = arith.constant 0 : index
    %get3A_0 = arith.constant 0 : index
    %get3A_1 = arith.constant 0 : index
    %get3A_2 = vector.load %arg3[%get3A, %get3A_0, %get3A_1] : memref<2x1000x16xf32, #tpu.memory_space<vmem>>, vector<1x1000x1xf32>
    %get3A_3 = vector.shape_cast %get3A_2 : vector<1x1000x1xf32> to vector<1000x1xf32>
    %add3A = arith.constant 1.000000e+00 : f32
    %add3A_4 = vector.broadcast %add3A : f32 to vector<1000x1xf32>
    %add3A_5 = arith.addf %add3A_4, %get3A_3 : vector<1000x1xf32>
    %get3A_6 = arith.constant 1 : index
    %get3A_7 = arith.constant 0 : index
    %get3A_8 = arith.constant 0 : index
    %get3A_9 = vector.load %arg3[%get3A_6, %get3A_7, %get3A_8] : memref<2x1000x16xf32, #tpu.memory_space<vmem>>, vector<1x1000x1xf32>
    %get3A_10 = vector.shape_cast %get3A_9 : vector<1x1000x1xf32> to vector<1000x1xf32>
    %add3A_11 = arith.addf %add3A_5, %get3A_10 : vector<1000x1xf32>
    %rsqrt3A = math.rsqrt %add3A_11 : vector<1000x1xf32>
    %broadcast_in_dim3A = vector.shape_cast %rsqrt3A : vector<1000x1xf32> to vector<1000x1xf32>
    %broadcast_in_dim3A_12 = vector.broadcast %broadcast_in_dim3A : vector<1000x1xf32> to vector<1000x128xf32>
    %get3A_13 = arith.constant 0 : index
    %get3A_14 = arith.constant 0 : index
    %get3A_15 = arith.constant 0 : index
    %get3A_16 = vector.load %arg1[%get3A_13, %get3A_14, %get3A_15] : memref<2x1000x128xf32, #tpu.memory_space<vmem>>, vector<1x1000x128xf32>
    %get3A_17 = vector.shape_cast %get3A_16 : vector<1x1000x128xf32> to vector<1000x128xf32>
    %get3A_18 = arith.constant 1 : index
    %get3A_19 = arith.constant 0 : index
    %get3A_20 = arith.constant 0 : index
    %get3A_21 = vector.load %arg1[%get3A_18, %get3A_19, %get3A_20] : memref<2x1000x128xf32, #tpu.memory_space<vmem>>, vector<1x1000x128xf32>
    %get3A_22 = vector.shape_cast %get3A_21 : vector<1x1000x128xf32> to vector<1000x128xf32>
    %add3A_23 = arith.addf %get3A_17, %get3A_22 : vector<1000x128xf32>
    %get3A_24 = arith.constant 0 : index
    %get3A_25 = arith.constant 0 : index
    %get3A_26 = vector.load %arg2[%get3A_24, %get3A_25] : memref<1000x128xf32, #tpu.memory_space<vmem>>, vector<1000x128xf32>
    %add3A_27 = arith.addf %add3A_23, %get3A_26 : vector<1000x128xf32>
    %mul3A = arith.mulf %broadcast_in_dim3A_12, %add3A_27 : vector<1000x128xf32>
    %get3A_28 = arith.constant 0 : index
    %get3A_29 = arith.constant 0 : index
    %get3A_30 = vector.load %arg4[%get3A_28, %get3A_29] : memref<1x128xf32, #tpu.memory_space<vmem>>, vector<1x128xf32>
    %add3A_31 = vector.broadcast %get3A_30 : vector<1x128xf32> to vector<1000x128xf32>
    %add3A_32 = arith.addf %mul3A, %add3A_31 : vector<1000x128xf32>
    %max3A = arith.constant 0.000000e+00 : f32
    %max3A_33 = vector.broadcast %max3A : f32 to vector<1000x128xf32>
    %max3A_34 = arith.maximumf %add3A_32, %max3A_33 : vector<1000x128xf32>
    %get3A_35 = arith.constant 0 : index
    %get3A_36 = arith.constant 0 : index
    %get3A_37 = vector.load %arg5[%get3A_35, %get3A_36] : memref<128x128xf32, #tpu.memory_space<vmem>>, vector<128x128xf32>
    %dot_general3A = arith.constant dense<0.000000e+00> : vector<1000x128xf32>
    %dot_general3A_38 = tpu.matmul %max3A_34, %get3A_37, %dot_general3A {dimension_numbers = #tpu.dot_dimension_numbers<[1], [0], [0], [1], [0, 0, 1, 1], [], []>, transpose_lhs_hint = false} : vector<1000x128xf32>, vector<128x128xf32>, vector<1000x128xf32> -> vector<1000x128xf32>
    %mul3A_39 = arith.mulf %dot_general3A_38, %broadcast_in_dim3A_12 : vector<1000x128xf32>
    %swap3A = arith.constant 0 : index
    %swap3A_40 = arith.constant 0 : index
    %swap3A_41 = vector.load %arg6[%swap3A, %swap3A_40] : memref<1000x128xf32, #tpu.memory_space<vmem>>, vector<1000x128xf32>
    tpu.vector_store %arg6[%swap3A, %swap3A_40], %mul3A_39 {strides = array<i32>} : memref<1000x128xf32, #tpu.memory_space<vmem>>, vector<1000x128xf32>,
    return
  }
  func.func @transform_0(%arg0: i32) -> (i32, i32, i32) {
    %c0_i32 = arith.constant 0 : i32
    %c0_i32_0 = arith.constant 0 : i32
    %c0_i32_1 = arith.constant 0 : i32
    return %c0_i32, %arg0, %c0_i32_0 : i32, i32, i32
  }
  func.func @transform_1(%arg0: i32) -> (i32, i32) {
    %c0_i32 = arith.constant 0 : i32
    %c0_i32_0 = arith.constant 0 : i32
    return %arg0, %c0_i32 : i32, i32
  }
  func.func @transform_2(%arg0: i32) -> (i32, i32, i32) {
    %c0_i32 = arith.constant 0 : i32
    %c0_i32_0 = arith.constant 0 : i32
    %c0_i32_1 = arith.constant 0 : i32
    return %c0_i32, %arg0, %c0_i32_0 : i32, i32, i32
  }
  func.func @transform_3(%arg0: i32) -> (i32, i32) {
    %c0_i32 = arith.constant 0 : i32
    %c0_i32_0 = arith.constant 0 : i32
    %c0_i32_1 = arith.constant 0 : i32
    return %c0_i32, %c0_i32_0 : i32, i32
  }
  func.func @transform_4(%arg0: i32) -> (i32, i32) {
    %c0_i32 = arith.constant 0 : i32
    %c0_i32_0 = arith.constant 0 : i32
    %c0_i32_1 = arith.constant 0 : i32
    return %c0_i32, %c0_i32_0 : i32, i32
  }
  func.func @transform_5(%arg0: i32) -> (i32, i32) {
    %c0_i32 = arith.constant 0 : i32
    %c0_i32_0 = arith.constant 0 : i32
    return %arg0, %c0_i32 : i32, i32
  }
}

module attributes {stable_mosaic.version = 14 : i64} {
  func.func @_tc_c_body(%arg0: i32, %arg1: memref<2x1000x128xf32, #tpu.memory_space<vmem>>, %arg2: memref<1000x128xf32, #tpu.memory_space<vmem>>, %arg3: memref<2x1000x16xf32, #tpu.memory_space<vmem>>, %arg4: memref<1x128xf32, #tpu.memory_space<vmem>>, %arg5: memref<1000x128xf32, #tpu.memory_space<vmem>>) attributes {dimension_semantics = [#tpu.dimension_semantics<arbitrary>], iteration_bounds = array<i64: 10>, scalar_prefetch = 0 : i64, scratch_operands = 0 : i64, tpu.core_type = #tpu.core_type<tc>, window_params = [{transform_indices = @transform_0, window_bounds = array<i64: 2, 1000, 128>}, {transform_indices = @transform_1, window_bounds = array<i64: 1000, 128>}, {transform_indices = @transform_2, window_bounds = array<i64: 2, 1000, 16>}, {pipeline_mode = #tpu.pipeline_mode<synchronous>, transform_indices = @transform_3, window_bounds = array<i64: 1, 128>}, {transform_indices = @transform_4, window_bounds = array<i64: 1000, 128>}]} {
    %get3A = arith.constant 0 : index
    %get3A_0 = arith.constant 0 : index
    %get3A_1 = arith.constant 0 : index
    %get3A_2 = vector.load %arg3[%get3A, %get3A_0, %get3A_1] : memref<2x1000x16xf32, #tpu.memory_space<vmem>>, vector<1x1000x1xf32>
    %get3A_3 = vector.shape_cast %get3A_2 : vector<1x1000x1xf32> to vector<1000x1xf32>
    %add3A = arith.constant 1.000000e+00 : f32
    %add3A_4 = vector.broadcast %add3A : f32 to vector<1000x1xf32>
    %add3A_5 = arith.addf %add3A_4, %get3A_3 : vector<1000x1xf32>
    %get3A_6 = arith.constant 1 : index
    %get3A_7 = arith.constant 0 : index
    %get3A_8 = arith.constant 0 : index
    %get3A_9 = vector.load %arg3[%get3A_6, %get3A_7, %get3A_8] : memref<2x1000x16xf32, #tpu.memory_space<vmem>>, vector<1x1000x1xf32>
    %get3A_10 = vector.shape_cast %get3A_9 : vector<1x1000x1xf32> to vector<1000x1xf32>
    %add3A_11 = arith.addf %add3A_5, %get3A_10 : vector<1000x1xf32>
    %rsqrt3A = math.rsqrt %add3A_11 : vector<1000x1xf32>
    %broadcast_in_dim3A = vector.shape_cast %rsqrt3A : vector<1000x1xf32> to vector<1000x1xf32>
    %broadcast_in_dim3A_12 = vector.broadcast %broadcast_in_dim3A : vector<1000x1xf32> to vector<1000x128xf32>
    %get3A_13 = arith.constant 0 : index
    %get3A_14 = arith.constant 0 : index
    %get3A_15 = arith.constant 0 : index
    %get3A_16 = vector.load %arg1[%get3A_13, %get3A_14, %get3A_15] : memref<2x1000x128xf32, #tpu.memory_space<vmem>>, vector<1x1000x128xf32>
    %get3A_17 = vector.shape_cast %get3A_16 : vector<1x1000x128xf32> to vector<1000x128xf32>
    %get3A_18 = arith.constant 1 : index
    %get3A_19 = arith.constant 0 : index
    %get3A_20 = arith.constant 0 : index
    %get3A_21 = vector.load %arg1[%get3A_18, %get3A_19, %get3A_20] : memref<2x1000x128xf32, #tpu.memory_space<vmem>>, vector<1x1000x128xf32>
    %get3A_22 = vector.shape_cast %get3A_21 : vector<1x1000x128xf32> to vector<1000x128xf32>
    %add3A_23 = arith.addf %get3A_17, %get3A_22 : vector<1000x128xf32>
    %get3A_24 = arith.constant 0 : index
    %get3A_25 = arith.constant 0 : index
    %get3A_26 = vector.load %arg2[%get3A_24, %get3A_25] : memref<1000x128xf32, #tpu.memory_space<vmem>>, vector<1000x128xf32>
    %add3A_27 = arith.addf %add3A_23, %get3A_26 : vector<1000x128xf32>
    %mul3A = arith.mulf %broadcast_in_dim3A_12, %add3A_27 : vector<1000x128xf32>
    %get3A_28 = arith.constant 0 : index
    %get3A_29 = arith.constant 0 : index
    %get3A_30 = vector.load %arg4[%get3A_28, %get3A_29] : memref<1x128xf32, #tpu.memory_space<vmem>>, vector<1x128xf32>
    %add3A_31 = vector.broadcast %get3A_30 : vector<1x128xf32> to vector<1000x128xf32>
    %add3A_32 = arith.addf %mul3A, %add3A_31 : vector<1000x128xf32>
    %swap3A = arith.constant 0 : index
    %swap3A_33 = arith.constant 0 : index
    %swap3A_34 = vector.load %arg5[%swap3A, %swap3A_33] : memref<1000x128xf32, #tpu.memory_space<vmem>>, vector<1000x128xf32>
    tpu.vector_store %arg5[%swap3A, %swap3A_33], %add3A_32 {strides = array<i32>} : memref<1000x128xf32, #tpu.memory_space<vmem>>, vector<1000x128xf32>,
    return
  }
  func.func @transform_0(%arg0: i32) -> (i32, i32, i32) {
    %c0_i32 = arith.constant 0 : i32
    %c0_i32_0 = arith.constant 0 : i32
    %c0_i32_1 = arith.constant 0 : i32
    return %c0_i32, %arg0, %c0_i32_0 : i32, i32, i32
  }
  func.func @transform_1(%arg0: i32) -> (i32, i32) {
    %c0_i32 = arith.constant 0 : i32
    %c0_i32_0 = arith.constant 0 : i32
    return %arg0, %c0_i32 : i32, i32
  }
  func.func @transform_2(%arg0: i32) -> (i32, i32, i32) {
    %c0_i32 = arith.constant 0 : i32
    %c0_i32_0 = arith.constant 0 : i32
    %c0_i32_1 = arith.constant 0 : i32
    return %c0_i32, %arg0, %c0_i32_0 : i32, i32, i32
  }
  func.func @transform_3(%arg0: i32) -> (i32, i32) {
    %c0_i32 = arith.constant 0 : i32
    %c0_i32_0 = arith.constant 0 : i32
    %c0_i32_1 = arith.constant 0 : i32
    return %c0_i32, %c0_i32_0 : i32, i32
  }
  func.func @transform_4(%arg0: i32) -> (i32, i32) {
    %c0_i32 = arith.constant 0 : i32
    %c0_i32_0 = arith.constant 0 : i32
    return %arg0, %c0_i32 : i32, i32
  }
}

</mosaic_0001>

<sc_bundles>
// kernel: kernel.11.cloned.1.call-start
scs
__scs_entry_jumppad:
0x0: {  	(pc) =	sbr.rel $0x88, $3  }
0x1: {  	(tag) =	ssettag $0x0;
	lr =	simm.s32 $0x1  }
0x2: {  	[smem:$0x3F9B] =	sst lr;
	_ =	strace $0xD0000000  }
0x3: {  	_ = 	snop  }
0x4: {  	_ = 	snop  }
0x5: {  	_ = 	snop  }
0x6: {  	_ = 	snop  }
0x7: {  	_ = 	snop  }
__scs_overlays_trampoline_lowered:
0x8: {  	[smem:$0x3FAA] =	sst s0  }
0x9: {  	[smem:$0x3FAB] =	sst s1  }
0xa: {  	[smem:$0x3FAC] =	sst s2  }
0xb: {  	[smem:$0x3FAD] =	sst s3  }
0xc: {  	[smem:$0x3FAE] =	sst s4  }
0xd: {  	[smem:$0x3FAF] =	sst s5  }
0xe: {  	[smem:$0x3FB0] =	sst s6  }
0xf: {  	[smem:$0x3FB1] =	sst s7  }
0x10: {  	[smem:$0x3FB2] =	sst s8  }
0x11: {  	[smem:$0x3FB3] =	sst s9;
	s0 =	simm.s32 @!p0 $0x0  }
0x12: {  	s1 =	sld [smem:$0x3F99];
	s0 =	simm.s32 @p0 $0x1  }
0x13: {  	[smem:$0x3FB4] =	sst s0;
	s0 =	simm.s32 @!p1 $0x0  }
0x14: {  	s2 =	sld [smem:$0x3F98];
	s0 =	simm.s32 @p1 $0x1  }
0x15: {  	[smem:$0x3FB5] =	sst s0;
	s0 =	simm.s32 @!p2 $0x0  }
0x16: {  	s3 =	sld [smem:$0x3FDB];
	s0 =	simm.s32 @p2 $0x1  }
0x17: {  	s4 =	simm.s32 $0x1BF5;
	[smem:$0x3FB7] =	sst s0  }
0x18: {  	s0 =	sld [smem:$0x3F9A];
	_ =	swait.ge [sflag:s4], $0x0  }
0x19: {  	s7 =	sld [smem:$0x3F9B]  }
0x1a: {  	s8 =	sadd.s32 $0xFFFFE003, lr  }
0x1b: {  	s9 =	sadd.s32 $0xFFFFFEF7, lr;
	s5 =	simm.s32 $0xFFFFFFFF;
	p2 =	slt.u32 s8, $0xFFFFF086  }
0x1c: {  	p1 =	slt.u32 s9, $0xF7A;
	s5 =	simm.s32 @!p2 $0x0  }
0x1d: {  	s5 =	simm.s32 @p1 $0x1;
	p0 =	seq.s32 s7, s2  }
0x1e: {  	s7 =	smul.u32 @!p0 $0xF7A, s2;
	p2 =	seq.s32 @!p0 s5, $0x0  }
0x1f: {  	s9 =	smul.u32 $0xF7A, s1;
	s8 =	simm.s32 @!p0 $0x1BF5;
	p2 =	por !p2, p0  }
0x20: {  	[sflag:s8] =	ssyncset.s32 @!p0 $0xFFFFF086;
	s6 =	sadd.s32 @!p0 s3, s7;
	s7 =	simm.s32 @!p0 $0x108  }
0x21: {  	s3 =	sadd.s32 s3, s9;
	s6 =	sadd.s32 @!p0 $0x88, s6;
	s7 =	simm.s32 @p2 $0x1082  }
0x22: {  	[simem:s7], [sflag:s8] =	dma.local @!p0 [hbm:s6], $0xF7A  }
0x23: {  	s9 =	sor.u32 $0xD0000000, s2;
	s6 =	simm.s32 $0x108;
	_ =	swait.ge @!p0 [sflag:s8], $0x0  }
0x24: {  	s3 =	sadd.s32 $0x88, s3;
	s6 =	simm.s32 @!p1 $0x1082;
	[sflag:s4] =	ssyncset.s32 $0xFFFFF086  }
0x25: {  	[simem:s6], [sflag:s4] =	dma.local [hbm:s3], $0xF7A  }
0x26: {  	[smem:$0x3F9B] =	sst s1;
	(tag) =	ssettag s2;
	_ =	strace s9  }
0x27: {  	s1 =	sld [smem:$0x3FAB]  }
0x28: {  	s2 =	sld [smem:$0x3FAC]  }
0x29: {  	s4 =	sld [smem:$0x3FAE]  }
0x2a: {  	p0 =	seq.s32 s5, $0x0;
	s5 =	sld [smem:$0x3FAF]  }
0x2b: {  	s6 =	sld [smem:$0x3FB0]  }
0x2c: {  	s7 =	sld [smem:$0x3FB1]  }
0x2d: {  	s3 =	simm.s32 $0x108;
	s8 =	sld [smem:$0x3FB2]  }
0x2e: {  	s3 =	simm.s32 @!p0 $0x1082;
	s9 =	sld [smem:$0x3FB3]  }
0x2f: {  	lr =	sadd.s32 s0, s3;
	s0 =	sld [smem:$0x3FAA]  }
0x30: {  	s3 =	sld [smem:$0x3FAD]  }
0x31: {  	[smem:$0x3FB6] =	sst s10  }
0x32: {  	s10 =	sld [smem:$0x3FB4];
	_ =	sdelay $0x3  }
0x33: {  	p0 =	seq.s32 s10, $0x1;
	s10 =	sld [smem:$0x3FB6];
	_ =	sdelay $0x3  }
0x34: {  	[smem:$0x3FB6] =	sst s10  }
0x35: {  	s10 =	sld [smem:$0x3FB5];
	_ =	sdelay $0x3  }
0x36: {  	p1 =	seq.s32 s10, $0x1;
	s10 =	sld [smem:$0x3FB6];
	_ =	sdelay $0x3  }
0x37: {  	[smem:$0x3FB6] =	sst s10  }
0x38: {  	s10 =	sld [smem:$0x3FB7]  }
0x39: {  	_ = 	snop;
	(pc) =	sbr.ind lr, $3  }
0x3a: {  	_ = 	snop  }
0x3b: {  	_ = 	snop  }
0x3c: {  	p2 =	seq.s32 s10, $0x1;
	s10 =	sld [smem:$0x3FB6]  }
0x3d: {  	_ =	shalt  }
0x3e: {  	_ =	shalt  }
0x3f: {  	_ =	shalt  }
0x40: {  	_ =	shalt  }
0x41: {  	_ =	shalt  }
0x42: {  	_ =	shalt  }
0x43: {  	_ =	shalt  }
0x44: {  	_ =	shalt  }
0x45: {  	_ =	shalt  }
0x46: {  	_ =	shalt  }
0x47: {  	_ =	shalt  }
0x48: {  	_ =	shalt  }
0x49: {  	_ =	shalt  }
0x4a: {  	_ =	shalt  }
0x4b: {  	_ =	shalt  }
0x4c: {  	_ =	shalt  }
0x4d: {  	_ =	shalt  }
0x4e: {  	_ =	shalt  }
0x4f: {  	_ =	shalt  }
0x50: {  	_ =	shalt  }
0x51: {  	_ =	shalt  }
0x52: {  	_ =	shalt  }
0x53: {  	_ =	shalt  }
0x54: {  	_ =	shalt  }
0x55: {  	_ =	shalt  }
0x56: {  	_ =	shalt  }
0x57: {  	_ =	shalt  }
0x58: {  	_ =	shalt  }
0x59: {  	_ =	shalt  }
0x5a: {  	_ =	shalt  }
0x5b: {  	_ =	shalt  }
0x5c: {  	_ =	shalt  }
0x5d: {  	_ =	shalt  }
0x5e: {  	_ =	shalt  }
0x5f: {  	_ =	shalt  }
0x60: {  	_ =	shalt  }
0x61: {  	_ =	shalt  }
0x62: {  	_ =	shalt  }
0x63: {  	_ =	shalt  }
0x64: {  	_ =	shalt  }
0x65: {  	_ =	shalt  }
0x66: {  	_ =	shalt  }
0x67: {  	_ =	shalt  }
0x68: {  	_ =	shalt  }
0x69: {  	_ =	shalt  }
0x6a: {  	_ =	shalt  }
0x6b: {  	_ =	shalt  }
0x6c: {  	_ =	shalt  }
0x6d: {  	_ =	shalt  }
0x6e: {  	_ =	shalt  }
0x6f: {  	_ =	shalt  }
0x70: {  	_ =	shalt  }
0x71: {  	_ =	shalt  }
0x72: {  	_ =	shalt  }
0x73: {  	_ =	shalt  }
0x74: {  	_ =	shalt  }
0x75: {  	_ =	shalt  }
0x76: {  	_ =	shalt  }
0x77: {  	_ =	shalt  }
0x78: {  	_ =	shalt  }
0x79: {  	_ =	shalt  }
0x7a: {  	_ =	shalt  }
0x7b: {  	_ =	shalt  }
0x7c: {  	_ =	shalt  }
0x7d: {  	_ =	shalt  }
0x7e: {  	_ =	shalt  }
0x7f: {  	_ =	shalt  }
0x80: {  	_ =	shalt  }
0x81: {  	_ =	shalt  }
0x82: {  	_ =	shalt  }
0x83: {  	_ =	shalt  }
0x84: {  	_ =	shalt  }
0x85: {  	_ =	shalt  }
0x86: {  	_ =	shalt  }
0x87: {  	_ =	shalt  }
.Lfunc_end0:
.L_simem_size_0:
called_computation.1_lowered:
.L_overlay_start_0:
0x88: {  	s2 =	sld [smem:$0x3FD9]  }
0x89: {  	s3 =	sld [smem:$0x3FFE];
	_ =	sdelay $0x1  }
0x8a: {  	s1 =	srdreg.scid  }
0x8b: {  	s0 =	sand.u32 $0x1, s1  }
0x8c: {  	s17 =	sshll.u32 s0, $0xA;
	s2 =	sadd.s32 s3, s2  }
0x8d: {  	s2 =	sadd.s32 s2, s17  }
0x8e: {  	[smem:$0x3FC2] =	sst s2  }
0x8f: {  	_ = 	snop  }
0x90: {  	s2 =	sld [smem:$0x3FD0];
	(tm) =	ssettm $0x1  }
0x91: {  	s18 =	sld [smem:$0x3FFB];
	_ =	sdelay $0x3  }
0x92: {  	_ =	strace s18  }
0x93: {  	s3 =	sld [smem:$0x3FFC];
	_ =	sdelay $0x3  }
0x94: {  	_ =	strace s3  }
0x95: {  	s3 =	sld [smem:$0x3FFD];
	_ =	sdelay $0x3  }
0x96: {  	_ =	strace s3  }
0x97: {  	_ =	strace $0x8FFFFFFF  }
0x98: {  	s19 =	sld [smem:$0x3FDB];
	_ =	sdelay $0x1  }
0x99: {  	s4 =	simm.s32 $_scs_section_size  }
0x9a: {  	s5 =	simm.s32 $_size__tile_overlayer_lowered;
	s6 =	simm.s32 $_tile_overlayer_lowered  }
0x9b: {  	s22 =	simm.s32 $0x1BFF;
	s21 =	sshll.u32 s6, $0x1;
	s3 =	sadd.s32 s4, s19  }
0x9c: {  	s7 =	simm.s32 $0x0;
	s20 =	sshll.u32 s5, $0x1;
	s5 =	sadd.s32 s21, s3  }
0x9d: {  	[timem:s7], [sflag:s22] =	dma.local [hbm:s5], s20  }
0x9e: {  	_ =	swait.ge [sflag:s22], s20  }
0x9f: {  	s4 =	ssub.s32 $0x0, s20;
	[sflag:s22] =	ssyncset.done $0x0  }
0xa0: {  	[sflag:s22] =	ssyncadd.s32 s4;
	_ =	sdelay $0x1  }
0xa1: {  	s23 =	simm.s32 $0x1B8B  }
0xa2: {  	_ =	swait.ge [sflag:s23], $0x1  }
0xa3: {  	[sflag:s23] =	ssyncset.done $0x0  }
0xa4: {  	s25 =	simm.s32 $0x1B8E;
	s24 =	sld [smem:$0x3FFE];
	[sflag:s23] =	ssyncadd.s32 $0xFFFFFFFF  }
0xa5: {  	s26 =	simm.s32 $execute0_lowered;
	[smem:$0x3FD2] =	sst s25  }
0xa6: {  	s5 =	sshll.u32 s26, $0x1;
	_ =	strace $0x80000049;
	[dreg:$0x1] =	wrdreg $0xFFFFFFFF  }
0xa7: {  	s28 =	simm.s32 $_size_execute0_lowered;
	s3 =	sadd.s32 s3, s5;
	[dreg:$0x0] =	wrdreg $0x0  }
0xa8: {  	s5 =	sshll.u32 s28, $0x1;
	[dreg:$0x2] =	wrdreg s3  }
0xa9: {  	[dreg:$0x3] =	wrdreg s5  }
0xaa: {  	[dreg:$0x4] =	wrdreg $0xC0  }
0xab: {  	_ =	task [dreg:s7], $0x5FFFF  }
0xac: {  	[dreg:$0x1] =	wrdreg $0xFFFFFFFF  }
0xad: {  	[dreg:$0x0] =	wrdreg $0x60  }
0xae: {  	[dreg:$0x2] =	wrdreg s2  }
0xaf: {  	[dreg:$0x3] =	wrdreg s24  }
0xb0: {  	[dreg:$0x4] =	wrdreg $0x7B000  }
0xb1: {  	[dreg:$0x5] =	wrdreg $0x9  }
0xb2: {  	_ =	task.clear_ibuf [dreg:s7], $0x6FFFF;
	_ =	strace $0x90000049  }
0xb3: {  	s29 =	simm.s32 $0x9;
	_ =	strace $0x8000004B  }
0xb4: {  	_ =	swait.ge [sflag:s29], $0x1  }
0xb5: {  	[sflag:s29] =	ssyncadd.s32 $0xFFFFFFFF  }
0xb6: {  	_ =	strace $0x9000004B  }
0xb7: {  	_ =	sfence  }
0xb8: {  	s30 =	sld [smem:$0x0];
	_ =	sdelay $0x2  }
0xb9: {  	s31 =	sshll.u32 s1, $0xD;
	s1 =	sshrl.u32 s1, $0x2  }
0xba: {  	s3 =	sand.u32 $0x4000, s31;
	s1 =	sadd.s32 s1, s30  }
0xbb: {  	s0 =	sor.u32 s3, s0;
	s1 =	sshll.u32 s1, $0x11  }
0xbc: {  	s0 =	sor.u32 s1, s0  }
0xbd: {  	s0 =	sadd.s32 $0x8F2B, s0  }
0xbe: {  	[sflag:s0] =	ssyncadd.remote.s32 $0x1  }
0xbf: {  	_ =	sfence.sel $0xFFFF  }
0xc0: {  	[dreg:$0x0] =	wrdreg $0xFFFFFFFF;
	(pc) =	sbr.abs _section_cstart, $3  }
0xc1: {  	[dreg:$0x1] =	wrdreg $0xFFFFFFFF  }
0xc2: {  	_ =	task.clear_ibuf [dreg:s7], $0x2FFFF;
	_ =	strace $0x9FFFFFFF  }
0xc3: {  	(tm) =	ssettm $0x7FFFFFFF  }
tec
execute0_lowered:
.L_overlay_start_1:
0x0: {  	(tag) =	ssettag $0x1  }
0x1: {  	s1 =	rddreg [dreg:$0x0]  }
0x2: {  	s0 =	rddreg [dreg:$0x1]  }
0x3: {  	s2 =	rddreg [dreg:$0x2];
	s4 =	simm.s32 $0x0;
	s3 =	srdreg.scid  }
0x4: {  	s11 =	stileid.u32;
	s28 =	simm.s32 $0x50;
	s29 =	simm.s32 $0x8  }
0x5: {  	s30 =	simm.s32 $0x2800;
	s31 =	simm.s32 $0x9;
	s7 =	smul.u32 $0x2780, s11  }
0x6: {  	[smem:$0x7FF] =	sst s4;
	s3 =	sand.u32 $0x1, s3;
	s21 =	smul.u32 $0x4F000, s11  }
0x7: {  	s5 =	sadd.s32 $0x54000, s0;
	s10 =	sadd.s32 $0x2800, s0;
	s24 =	smul.u32 $0x2760, s11  }
0x8: {  	s25 =	sshll.u32 s11, $0x6;
	_ =	strace $0x8000004A;
	s6 =	sshll.u32 s3, $0x4  }
0x9: {  	s8 =	smul.u32 $0x27800, s3;
	[dreg:$0x8] =	wrdreg s10;
	s20 =	ssub.s32 $0x2, s3  }
0xa: {  	s3 =	smul.u32 $0x27600, s3;
	s15 =	sor.u32 $0x1C0A, s25;
	s9 =	sor.u32 s11, s6  }
0xb: {  	s6 =	sadd.s32 $0x5DE00, s0;
	s22 =	sshrl.u32 s20, $0x1;
	s23 =	sshrl.u32 s21, $0x2  }
0xc: {  	s11 =	simm.s32 $0x5;
	[dreg:$0xa] =	wrdreg s15;
	s9 =	smul.u32 $0x2760, s9  }
0xd: {  	s7 =	sadd.s32 s7, s8;
	s8 =	sadd.s32 s23, s2;
	s3 =	sadd.s32 s24, s3  }
0xe: {  	s0 =	sadd.s32 s7, s0;
	s7 =	ssub.s32 s20, s22;
	s10 =	sadd.s32 $0x190, s3  }
0xf: {  	[dreg:$0x9] =	wrdreg s8;
	s26 =	sshrl.u32 s9, $0x3;
	s17 =	sshrl.u32 s10, $0x3  }
0x10: {  	s0 =	sadd.s32 $0x67C00, s0;
	s25 =	smax.u32 s7, $0x1;
	s7 =	simm.s32 $0x2  }
0x11: {  	s10 =	simm.s32 $0x3;
	s12 =	sadd.s32 s5, s26;
	[dreg:$0x11] =	wrdreg s0  }
0x12: {  	s13 =	sadd.s32 s6, s26;
	s14 =	sadd.s32 $0xA, s26;
	[dreg:$0x12] =	wrdreg s25  }
0x13: {  	s18 =	sadd.s32 $0x14, s26;
	s19 =	sadd.s32 s17, s6;
	[dreg:$0xb] =	wrdreg s12  }
0x14: {  	s26 =	sadd.s32 $0xF0, s3;
	s25 =	simm.s32 $0x7A80;
	[dreg:$0xc] =	wrdreg s13  }
0x15: {  	s0 =	simm.s32 $0x5000;
	s16 =	sadd.s32 s5, s14;
	[dreg:$0x4] =	wrdreg s19  }
0x16: {  	s8 =	sadd.s32 s6, s14;
	s12 =	sadd.s32 $0x140, s3;
	[dreg:$0x13] =	wrdreg s26  }
0x17: {  	s21 =	sadd.s32 s5, s18;
	s23 =	sadd.s32 s6, s18;
	[dreg:$0xd] =	wrdreg s16  }
0x18: {  	s19 =	simm.s32 $0xA;
	s26 =	simm.s32 $0x7;
	[dreg:$0xe] =	wrdreg s8  }
0x19: {  	s3 =	simm.s32 $0x1;
	s13 =	simm.s32 $0x0;
	[dreg:$0xf] =	wrdreg s21  }
0x1a: {  	s8 =	sadd.s32 s17, s5;
	s20 =	sshrl.u32 s12, $0x3;
	[dreg:$0x10] =	wrdreg s23  }
0x1b: {  	s21 =	simm.s32 $0x7980;
	s23 =	simm.s32 $0x7A00;
	s12 =	simm.s32 $0x6  }
0x1c: {  	[dreg:$0x5] =	wrdreg s8;
	s22 =	sadd.s32 s20, s6;
	s24 =	sadd.s32 s20, s5  }
0x1d: {  	s20 =	simm.s32 $0x7800;
	s8 =	simm.s32 $0x4;
	[dreg:$0x6] =	wrdreg s22  }
0x1e: {  	[dreg:$0x7] =	wrdreg s24;
	s22 =	simm.s32 $0x7880;
	s24 =	simm.s32 $0x7900  }
.LBB2_1:
0x1f: {  	s9 =	rddreg [dreg:$0x9]  }
0x20: {  	s18 =	rddreg [dreg:$0x8];
	s14 =	sshrl.u32 s9, $0x3  }
0x21: {  	[spmem:s14], [sflag:s15] =	dma.local [hbm:s18], $0x2780  }
0x22: {  	_ =	swait.ge [sflag:s19], $0x2780  }
0x23: {  	[sflag:s19] =	ssyncset.done $0x0  }
0x24: {  	[sflag:s19] =	ssyncadd.s32 $0xFFFFD880  }
0x25: {  	[bflag:$0x0] =	sbarrier.arrive $0xFFFF  }
0x26: {  	s16 =	rddreg [dreg:$0xb]  }
0x27: {  	[tilespmem:s20], [sflag:$0x7] =	stream.linear.gather [hbm4b:s16+s4], $0x50, $0x38;
	[tilespmem:$0x1B700] =	vst v63  }
0x28: {  	s17 =	rddreg [dreg:$0xc]  }
0x29: {  	[tilespmem:s21], [sflag:$0x7] =	stream.linear.gather [hbm4b:s17+s4], $0x50, $0x38;
	[tilespmem:$0x1B700] =	vst v63  }
0x2a: {  	s18 =	rddreg [dreg:$0xd]  }
0x2b: {  	[tilespmem:s22], [sflag:$0x8] =	stream.linear.gather [hbm4b:s18+s4], $0x50, $0x38;
	[tilespmem:$0x1B700] =	vst v63  }
0x2c: {  	s15 =	rddreg [dreg:$0xe]  }
0x2d: {  	[tilespmem:s23], [sflag:$0x8] =	stream.linear.gather [hbm4b:s15+s4], $0x50, $0x38;
	[tilespmem:$0x1B700] =	vst v63  }
0x2e: {  	s16 =	rddreg [dreg:$0xf]  }
0x2f: {  	[tilespmem:s24], [sflag:$0x9] =	stream.linear.gather [hbm4b:s16+s4], $0x50, $0x38;
	[tilespmem:$0x1B700] =	vst v63  }
0x30: {  	s17 =	rddreg [dreg:$0x10]  }
0x31: {  	[tilespmem:s25], [sflag:$0x9] =	stream.linear.gather [hbm4b:s17+s4], $0x50, $0x38;
	[tilespmem:$0x1B700] =	vst v63  }
0x32: {  	_ =	swait.ge [sflag:s26], $0x50  }
0x33: {  	[sflag:s26] =	ssyncset.done $0x0  }
0x34: {  	[sflag:s26] =	ssyncadd.s32 $0xFFFFFFB0  }
0x35: {  	_ =	swait.ge [sflag:s26], $0x50  }
0x36: {  	[sflag:s26] =	ssyncset.done $0x0  }
0x37: {  	[sflag:s26] =	ssyncadd.s32 $0xFFFFFFB0  }
0x38: {  	[tilespmem:s4], [sflag:$0x1] =	stream.indirect.gather [hbm4b:s1+s28], $0x80, s20, s28, $0xb8;
	[tilespmem:$0x1B700] =	vst v63  }
0x39: {  	_ =	swait.ge [sflag:s29], $0x50  }
0x3a: {  	[sflag:s29] =	ssyncset.done $0x0  }
0x3b: {  	[sflag:s29] =	ssyncadd.s32 $0xFFFFFFB0  }
0x3c: {  	_ =	swait.ge [sflag:s29], $0x50  }
0x3d: {  	[sflag:s29] =	ssyncset.done $0x0  }
0x3e: {  	[sflag:s29] =	ssyncadd.s32 $0xFFFFFFB0  }
0x3f: {  	[tilespmem:s30], [sflag:$0x2] =	stream.indirect.gather [hbm4b:s1+s28], $0x80, s22, s28, $0xb8;
	[tilespmem:$0x1B700] =	vst v63  }
0x40: {  	_ =	swait.ge [sflag:s31], $0x50  }
0x41: {  	[sflag:s31] =	ssyncset.done $0x0  }
0x42: {  	[sflag:s31] =	ssyncadd.s32 $0xFFFFFFB0  }
0x43: {  	_ =	swait.ge [sflag:s31], $0x50  }
0x44: {  	[sflag:s31] =	ssyncset.done $0x0  }
0x45: {  	[sflag:s31] =	ssyncadd.s32 $0xFFFFFFB0  }
0x46: {  	[tilespmem:s0], [sflag:$0x3] =	stream.indirect.gather [hbm4b:s1+s28], $0x80, s24, s28, $0xb8;
	[tilespmem:$0x1B700] =	vst v63  }
0x47: {  	_ =	swait.ge [sflag:s3], $0x2800  }
0x48: {  	[sflag:s3] =	ssyncset.done $0x0  }
0x49: {  	[sflag:s3] =	ssyncadd.s32 $0xFFFFD800  }
0x4a: {  	[spmem:s2] =	stream.indirect.scatter.add.f32 [tilespmem:s4], [sflag:$0x4], $0x80, s21, s28, $0xb8;
	[tilespmem:$0x1B700] =	vst v63  }
0x4b: {  	_ =	swait.ge [sflag:s7], $0x2800  }
0x4c: {  	[sflag:s7] =	ssyncset.done $0x0  }
0x4d: {  	[sflag:s7] =	ssyncadd.s32 $0xFFFFD800  }
0x4e: {  	[spmem:s2] =	stream.indirect.scatter.add.f32 [tilespmem:s30], [sflag:$0x5], $0x80, s23, s28, $0xb8;
	[tilespmem:$0x1B700] =	vst v63  }
0x4f: {  	_ =	swait.ge [sflag:s8], $0x2800  }
0x50: {  	s9 =	rddreg [dreg:$0x13]  }
0x51: {  	[sflag:s8] =	ssyncset.done $0x0;
	s18 =	sshrl.u32 s9, $0x3  }
0x52: {  	[sflag:s8] =	ssyncadd.s32 $0xFFFFD800;
	s16 =	sadd.s32 s5, s18  }
0x53: {  	[tilespmem:s20], [sflag:$0x7] =	stream.linear.gather [hbm4b:s16+s4], $0x50, $0x38;
	[tilespmem:$0x1B700] =	vst v63  }
0x54: {  	s15 =	sadd.s32 s6, s18  }
0x55: {  	[tilespmem:s21], [sflag:$0x7] =	stream.linear.gather [hbm4b:s15+s4], $0x50, $0x38;
	[tilespmem:$0x1B700] =	vst v63  }
0x56: {  	_ =	swait.ge [sflag:s10], $0x2800  }
0x57: {  	[sflag:s10] =	ssyncset.done $0x0  }
0x58: {  	[sflag:s10] =	ssyncadd.s32 $0xFFFFD800  }
0x59: {  	[spmem:s2] =	stream.indirect.scatter.add.f32 [tilespmem:s0], [sflag:$0x6], $0x80, s25, s28, $0xb8;
	[tilespmem:$0x1B700] =	vst v63  }
0x5a: {  	_ =	swait.ge [sflag:s11], $0x2800  }
0x5b: {  	s16 =	rddreg [dreg:$0x7];
	[sflag:s11] =	ssyncset.done $0x0  }
0x5c: {  	s17 =	rddreg [dreg:$0x6];
	[sflag:s11] =	ssyncadd.s32 $0xFFFFD800;
	s15 =	sadd.s32 $0x0, s16  }
0x5d: {  	[tilespmem:s22], [sflag:$0x8] =	stream.linear.gather [hbm4b:s15+s4], $0x50, $0x38;
	[tilespmem:$0x1B700] =	vst v63  }
0x5e: {  	s18 =	sadd.s32 $0x0, s17  }
0x5f: {  	[tilespmem:s23], [sflag:$0x8] =	stream.linear.gather [hbm4b:s18+s4], $0x50, $0x38;
	[tilespmem:$0x1B700] =	vst v63  }
0x60: {  	_ =	swait.ge [sflag:s26], $0x50  }
0x61: {  	[sflag:s26] =	ssyncset.done $0x0  }
0x62: {  	[sflag:s26] =	ssyncadd.s32 $0xFFFFFFB0  }
0x63: {  	_ =	swait.ge [sflag:s26], $0x50  }
0x64: {  	[sflag:s26] =	ssyncset.done $0x0  }
0x65: {  	[sflag:s26] =	ssyncadd.s32 $0xFFFFFFB0  }
0x66: {  	[tilespmem:s4], [sflag:$0x1] =	stream.indirect.gather [hbm4b:s1+s28], $0x80, s20, s28, $0xb8;
	[tilespmem:$0x1B700] =	vst v63  }
0x67: {  	_ =	swait.ge [sflag:s12], $0x2800  }
0x68: {  	s16 =	rddreg [dreg:$0x5];
	[sflag:s12] =	ssyncset.done $0x0  }
0x69: {  	s17 =	rddreg [dreg:$0x4];
	[sflag:s12] =	ssyncadd.s32 $0xFFFFD800;
	s15 =	sadd.s32 $0x0, s16  }
0x6a: {  	[tilespmem:s24], [sflag:$0x9] =	stream.linear.gather [hbm4b:s15+s4], $0x50, $0x38;
	[tilespmem:$0x1B700] =	vst v63  }
0x6b: {  	s18 =	sadd.s32 $0x0, s17  }
0x6c: {  	[tilespmem:s25], [sflag:$0x9] =	stream.linear.gather [hbm4b:s18+s4], $0x50, $0x38;
	[tilespmem:$0x1B700] =	vst v63  }
0x6d: {  	_ =	swait.ge [sflag:s29], $0x50  }
0x6e: {  	[sflag:s29] =	ssyncset.done $0x0  }
0x6f: {  	[sflag:s29] =	ssyncadd.s32 $0xFFFFFFB0  }
0x70: {  	_ =	swait.ge [sflag:s29], $0x50  }
0x71: {  	[sflag:s29] =	ssyncset.done $0x0  }
0x72: {  	[sflag:s29] =	ssyncadd.s32 $0xFFFFFFB0  }
0x73: {  	[tilespmem:s30], [sflag:$0x2] =	stream.indirect.gather [hbm4b:s1+s28], $0x80, s22, s28, $0xb8;
	[tilespmem:$0x1B700] =	vst v63  }
0x74: {  	_ =	swait.ge [sflag:s31], $0x50  }
0x75: {  	[sflag:s31] =	ssyncset.done $0x0  }
0x76: {  	[sflag:s31] =	ssyncadd.s32 $0xFFFFFFB0  }
0x77: {  	_ =	swait.ge [sflag:s31], $0x50  }
0x78: {  	[sflag:s31] =	ssyncset.done $0x0  }
0x79: {  	s16 =	sadd.s32 $0xF0, s9;
	s15 =	simm.s32 $0x1E;
	[sflag:s31] =	ssyncadd.s32 $0xFFFFFFB0  }
.LBB2_2:
0x7a: {  	[tilespmem:s0], [sflag:$0x3] =	stream.indirect.gather [hbm4b:s1+s28], $0x80, s24, s28, $0xb8;
	[tilespmem:$0x1B700] =	vst v63  }
0x7b: {  	_ =	swait.ge [sflag:s3], $0x2800  }
0x7c: {  	[sflag:s3] =	ssyncset.done $0x0  }
0x7d: {  	[sflag:s3] =	ssyncadd.s32 $0xFFFFD800  }
0x7e: {  	[spmem:s2] =	stream.indirect.scatter.add.f32 [tilespmem:s4], [sflag:$0x4], $0x80, s21, s28, $0xb8;
	[tilespmem:$0x1B700] =	vst v63  }
0x7f: {  	_ =	swait.ge [sflag:s7], $0x2800  }
0x80: {  	[sflag:s7] =	ssyncset.done $0x0  }
0x81: {  	[sflag:s7] =	ssyncadd.s32 $0xFFFFD800  }
0x82: {  	[spmem:s2] =	stream.indirect.scatter.add.f32 [tilespmem:s30], [sflag:$0x5], $0x80, s23, s28, $0xb8;
	[tilespmem:$0x1B700] =	vst v63  }
0x83: {  	_ =	swait.ge [sflag:s8], $0x2800  }
0x84: {  	s9 =	sshrl.u32 s16, $0x3;
	[sflag:s8] =	ssyncset.done $0x0  }
0x85: {  	s18 =	sadd.s32 s5, s9;
	[sflag:s8] =	ssyncadd.s32 $0xFFFFD800  }
0x86: {  	[tilespmem:s20], [sflag:$0x7] =	stream.linear.gather [hbm4b:s18+s4], $0x50, $0x38;
	[tilespmem:$0x1B700] =	vst v63  }
0x87: {  	s9 =	sadd.s32 s6, s9  }
0x88: {  	[tilespmem:s21], [sflag:$0x7] =	stream.linear.gather [hbm4b:s9+s4], $0x50, $0x38;
	[tilespmem:$0x1B700] =	vst v63  }
0x89: {  	_ =	swait.ge [sflag:s10], $0x2800  }
0x8a: {  	[sflag:s10] =	ssyncset.done $0x0  }
0x8b: {  	[sflag:s10] =	ssyncadd.s32 $0xFFFFD800  }
0x8c: {  	[spmem:s2] =	stream.indirect.scatter.add.f32 [tilespmem:s0], [sflag:$0x6], $0x80, s25, s28, $0xb8;
	[tilespmem:$0x1B700] =	vst v63  }
0x8d: {  	_ =	swait.ge [sflag:s11], $0x2800  }
0x8e: {  	s17 =	smov.u32 s15;
	s9 =	rddreg [dreg:$0x7];
	[sflag:s11] =	ssyncset.done $0x0  }
0x8f: {  	s18 =	rddreg [dreg:$0x6];
	[sflag:s11] =	ssyncadd.s32 $0xFFFFD800;
	s9 =	sadd.s32 s17, s9  }
0x90: {  	[tilespmem:s22], [sflag:$0x8] =	stream.linear.gather [hbm4b:s9+s4], $0x50, $0x38;
	[tilespmem:$0x1B700] =	vst v63  }
0x91: {  	s18 =	sadd.s32 s17, s18  }
0x92: {  	[tilespmem:s23], [sflag:$0x8] =	stream.linear.gather [hbm4b:s18+s4], $0x50, $0x38;
	[tilespmem:$0x1B700] =	vst v63  }
0x93: {  	_ =	swait.ge [sflag:s26], $0x50  }
0x94: {  	[sflag:s26] =	ssyncset.done $0x0  }
0x95: {  	[sflag:s26] =	ssyncadd.s32 $0xFFFFFFB0  }
0x96: {  	_ =	swait.ge [sflag:s26], $0x50  }
0x97: {  	[sflag:s26] =	ssyncset.done $0x0  }
0x98: {  	[sflag:s26] =	ssyncadd.s32 $0xFFFFFFB0  }
0x99: {  	[tilespmem:s4], [sflag:$0x1] =	stream.indirect.gather [hbm4b:s1+s28], $0x80, s20, s28, $0xb8;
	[tilespmem:$0x1B700] =	vst v63  }
0x9a: {  	_ =	swait.ge [sflag:s12], $0x2800  }
0x9b: {  	s9 =	rddreg [dreg:$0x5];
	[sflag:s12] =	ssyncset.done $0x0  }
0x9c: {  	s18 =	rddreg [dreg:$0x4];
	[sflag:s12] =	ssyncadd.s32 $0xFFFFD800;
	s9 =	sadd.s32 s17, s9  }
0x9d: {  	[tilespmem:s24], [sflag:$0x9] =	stream.linear.gather [hbm4b:s9+s4], $0x50, $0x38;
	[tilespmem:$0x1B700] =	vst v63  }
0x9e: {  	s18 =	sadd.s32 s17, s18  }
0x9f: {  	[tilespmem:s25], [sflag:$0x9] =	stream.linear.gather [hbm4b:s18+s4], $0x50, $0x38;
	[tilespmem:$0x1B700] =	vst v63  }
0xa0: {  	_ =	swait.ge [sflag:s29], $0x50  }
0xa1: {  	[sflag:s29] =	ssyncset.done $0x0  }
0xa2: {  	[sflag:s29] =	ssyncadd.s32 $0xFFFFFFB0  }
0xa3: {  	_ =	swait.ge [sflag:s29], $0x50  }
0xa4: {  	[sflag:s29] =	ssyncset.done $0x0  }
0xa5: {  	[sflag:s29] =	ssyncadd.s32 $0xFFFFFFB0  }
0xa6: {  	[tilespmem:s30], [sflag:$0x2] =	stream.indirect.gather [hbm4b:s1+s28], $0x80, s22, s28, $0xb8;
	[tilespmem:$0x1B700] =	vst v63  }
0xa7: {  	p0 =	sne.s32 s15, $0x4B0;
	_ =	swait.ge [sflag:s31], $0x50  }
.Ltmp0:
0xa8: {  	[sflag:s31] =	ssyncset.done $0x0;
	(pc) =	sbr.rel @p0 .LBB2_2-.Ltmp0, $4  }
0xa9: {  	[sflag:s31] =	ssyncadd.s32 $0xFFFFFFB0  }
0xaa: {  	_ =	swait.ge [sflag:s31], $0x50  }
0xab: {  	[sflag:s31] =	ssyncset.done $0x0  }
0xac: {  	s15 =	sadd.s32 $0x1E, s15;
	s16 =	sadd.s32 $0xF0, s16;
	[sflag:s31] =	ssyncadd.s32 $0xFFFFFFB0  }
0xad: {  	[tilespmem:s0], [sflag:$0x3] =	stream.indirect.gather [hbm4b:s1+s28], $0x80, s24, s28, $0xb8;
	[tilespmem:$0x1B700] =	vst v63  }
0xae: {  	_ =	swait.ge [sflag:s3], $0x2800  }
0xaf: {  	[sflag:s3] =	ssyncset.done $0x0  }
0xb0: {  	[sflag:s3] =	ssyncadd.s32 $0xFFFFD800  }
0xb1: {  	[spmem:s2] =	stream.indirect.scatter.add.f32 [tilespmem:s4], [sflag:$0x4], $0x80, s21, s28, $0xb8;
	[tilespmem:$0x1B700] =	vst v63  }
0xb2: {  	_ =	swait.ge [sflag:s7], $0x2800  }
0xb3: {  	[sflag:s7] =	ssyncset.done $0x0  }
0xb4: {  	[sflag:s7] =	ssyncadd.s32 $0xFFFFD800  }
0xb5: {  	[spmem:s2] =	stream.indirect.scatter.add.f32 [tilespmem:s30], [sflag:$0x5], $0x80, s23, s28, $0xb8;
	[tilespmem:$0x1B700] =	vst v63  }
0xb6: {  	_ =	swait.ge [sflag:s10], $0x2800  }
0xb7: {  	[sflag:s10] =	ssyncset.done $0x0  }
0xb8: {  	[sflag:s10] =	ssyncadd.s32 $0xFFFFD800  }
0xb9: {  	[spmem:s2] =	stream.indirect.scatter.add.f32 [tilespmem:s0], [sflag:$0x6], $0x80, s25, s28, $0xb8;
	[tilespmem:$0x1B700] =	vst v63  }
0xba: {  	_ =	swait.ge [sflag:s8], $0x2800  }
0xbb: {  	[sflag:s8] =	ssyncset.done $0x0  }
0xbc: {  	[sflag:s8] =	ssyncadd.s32 $0xFFFFD800  }
0xbd: {  	_ =	swait.ge [sflag:s11], $0x2800  }
0xbe: {  	[sflag:s11] =	ssyncset.done $0x0  }
0xbf: {  	[sflag:s11] =	ssyncadd.s32 $0xFFFFD800  }
0xc0: {  	_ =	swait.ge [sflag:s12], $0x2800  }
0xc1: {  	[sflag:s12] =	ssyncset.done $0x0  }
0xc2: {  	[sflag:s12] =	ssyncadd.s32 $0xFFFFD800  }
0xc3: {  	[bflag:$0x0] =	sbarrier.arrive $0xFFFF  }
0xc4: {  	s15 =	rddreg [dreg:$0xa]  }
0xc5: {  	s9 =	rddreg [dreg:$0x11]  }
0xc6: {  	[hbm:s9], [sflag:s15] =	dma.local [spmem:s14], $0x2780  }
0xc7: {  	_ =	swait.ge [sflag:s19], $0x2780  }
0xc8: {  	s13 =	sadd.s32 $0x1, s13;
	s18 =	rddreg [dreg:$0x12]  }
0xc9: {  	p0 =	sne.s32 s13, s18  }
.Ltmp1:
0xca: {  	_ = 	snop;
	(pc) =	sbr.rel @p0 .LBB2_1-.Ltmp1, $3  }
0xcb: {  	_ =	sdelay $0x1  }
0xcc: {  	[sflag:s19] =	ssyncset.done $0x0  }
0xcd: {  	[sflag:s19] =	ssyncadd.s32 $0xFFFFD880  }
0xce: {  	_ =	sfence.sel $0x180000  }
0xcf: {  	[bflag:$0x0] =	sbarrier.arrive $0xFFFF  }
0xd0: {  	_ =	strace $0x9000004A  }
0xd1: {  	s0 =	stileid.u32;
	[bflag:$0x2] =	sbarrier.arrive $0xFFFF  }
0xd2: {  	p0 =	sne.s32 s0, $0x0;
	s0 =	rddreg [dreg:$0x3]  }
0xd3: {  	s0 =	sadd.s32 @!p0 $0x100000, s0  }
0xd4: {  	[sflag:s0] =	ssyncadd.tile.s32 @!p0 $0x1;
	_ =	shalt  }
.Lfunc_end2:
_tile_overlayer_lowered:
.L_overlay_start_2:
0xd5: {  	(tag) =	ssettag $0x2  }
0xd6: {  	s0 =	rddreg [dreg:$0x0];
	s2 =	stileid.u32  }
0xd7: {  	s1 =	rddreg [dreg:$0x1];
	p0 =	sne.s32 s2, $0x0  }
0xd8: {  	s3 =	rddreg [dreg:$0x2];
	[bflag:$0x3] =	sbarrier.arrive $0xFFFF;
	s2 =	simm.s32 @!p0 $0x1C0A  }
0xd9: {  	[timem:s3], [sflag:s2] =	dma.local @!p0 [hbm:s0], s1  }
0xda: {  	s0 =	simm.s32 @!p0 $0xA  }
0xdb: {  	_ =	swait.ge @!p0 [sflag:s0], s1  }
0xdc: {  	s1 =	ssub.s32 @!p0 $0x0, s1;
	[sflag:s0] =	ssyncset.done @!p0 $0x0  }
0xdd: {  	[sflag:s0] =	ssyncadd.s32 @!p0 s1  }
0xde: {  	[bflag:$0x3] =	sbarrier.arrive $0xFFFF  }
0xdf: {  	_ =	shalt  }

// kernel: kernel.14.cloned.1.call-start
scs
__scs_entry_jumppad:
0x0: {  	(pc) =	sbr.rel $0x88, $3  }
0x1: {  	(tag) =	ssettag $0x0;
	lr =	simm.s32 $0x1  }
0x2: {  	[smem:$0x3F9B] =	sst lr;
	_ =	strace $0xD0000000  }
0x3: {  	_ = 	snop  }
0x4: {  	_ = 	snop  }
0x5: {  	_ = 	snop  }
0x6: {  	_ = 	snop  }
0x7: {  	_ = 	snop  }
__scs_overlays_trampoline_lowered:
0x8: {  	[smem:$0x3FAA] =	sst s0  }
0x9: {  	[smem:$0x3FAB] =	sst s1  }
0xa: {  	[smem:$0x3FAC] =	sst s2  }
0xb: {  	[smem:$0x3FAD] =	sst s3  }
0xc: {  	[smem:$0x3FAE] =	sst s4  }
0xd: {  	[smem:$0x3FAF] =	sst s5  }
0xe: {  	[smem:$0x3FB0] =	sst s6  }
0xf: {  	[smem:$0x3FB1] =	sst s7  }
0x10: {  	[smem:$0x3FB2] =	sst s8  }
0x11: {  	[smem:$0x3FB3] =	sst s9;
	s0 =	simm.s32 @!p0 $0x0  }
0x12: {  	s1 =	sld [smem:$0x3F99];
	s0 =	simm.s32 @p0 $0x1  }
0x13: {  	[smem:$0x3FB4] =	sst s0;
	s0 =	simm.s32 @!p1 $0x0  }
0x14: {  	s2 =	sld [smem:$0x3F98];
	s0 =	simm.s32 @p1 $0x1  }
0x15: {  	[smem:$0x3FB5] =	sst s0;
	s0 =	simm.s32 @!p2 $0x0  }
0x16: {  	s3 =	sld [smem:$0x3FDB];
	s0 =	simm.s32 @p2 $0x1  }
0x17: {  	s4 =	simm.s32 $0x1BF5;
	[smem:$0x3FB7] =	sst s0  }
0x18: {  	s0 =	sld [smem:$0x3F9A];
	_ =	swait.ge [sflag:s4], $0x0  }
0x19: {  	s7 =	sld [smem:$0x3F9B]  }
0x1a: {  	s8 =	sadd.s32 $0xFFFFE003, lr  }
0x1b: {  	s9 =	sadd.s32 $0xFFFFFEF7, lr;
	s5 =	simm.s32 $0xFFFFFFFF;
	p2 =	slt.u32 s8, $0xFFFFF086  }
0x1c: {  	p1 =	slt.u32 s9, $0xF7A;
	s5 =	simm.s32 @!p2 $0x0  }
0x1d: {  	s5 =	simm.s32 @p1 $0x1;
	p0 =	seq.s32 s7, s2  }
0x1e: {  	s7 =	smul.u32 @!p0 $0xF7A, s2;
	p2 =	seq.s32 @!p0 s5, $0x0  }
0x1f: {  	s9 =	smul.u32 $0xF7A, s1;
	s8 =	simm.s32 @!p0 $0x1BF5;
	p2 =	por !p2, p0  }
0x20: {  	[sflag:s8] =	ssyncset.s32 @!p0 $0xFFFFF086;
	s6 =	sadd.s32 @!p0 s3, s7;
	s7 =	simm.s32 @!p0 $0x108  }
0x21: {  	s3 =	sadd.s32 s3, s9;
	s6 =	sadd.s32 @!p0 $0x88, s6;
	s7 =	simm.s32 @p2 $0x1082  }
0x22: {  	[simem:s7], [sflag:s8] =	dma.local @!p0 [hbm:s6], $0xF7A  }
0x23: {  	s9 =	sor.u32 $0xD0000000, s2;
	s6 =	simm.s32 $0x108;
	_ =	swait.ge @!p0 [sflag:s8], $0x0  }
0x24: {  	s3 =	sadd.s32 $0x88, s3;
	s6 =	simm.s32 @!p1 $0x1082;
	[sflag:s4] =	ssyncset.s32 $0xFFFFF086  }
0x25: {  	[simem:s6], [sflag:s4] =	dma.local [hbm:s3], $0xF7A  }
0x26: {  	[smem:$0x3F9B] =	sst s1;
	(tag) =	ssettag s2;
	_ =	strace s9  }
0x27: {  	s1 =	sld [smem:$0x3FAB]  }
0x28: {  	s2 =	sld [smem:$0x3FAC]  }
0x29: {  	s4 =	sld [smem:$0x3FAE]  }
0x2a: {  	p0 =	seq.s32 s5, $0x0;
	s5 =	sld [smem:$0x3FAF]  }
0x2b: {  	s6 =	sld [smem:$0x3FB0]  }
0x2c: {  	s7 =	sld [smem:$0x3FB1]  }
0x2d: {  	s3 =	simm.s32 $0x108;
	s8 =	sld [smem:$0x3FB2]  }
0x2e: {  	s3 =	simm.s32 @!p0 $0x1082;
	s9 =	sld [smem:$0x3FB3]  }
0x2f: {  	lr =	sadd.s32 s0, s3;
	s0 =	sld [smem:$0x3FAA]  }
0x30: {  	s3 =	sld [smem:$0x3FAD]  }
0x31: {  	[smem:$0x3FB6] =	sst s10  }
0x32: {  	s10 =	sld [smem:$0x3FB4];
	_ =	sdelay $0x3  }
0x33: {  	p0 =	seq.s32 s10, $0x1;
	s10 =	sld [smem:$0x3FB6];
	_ =	sdelay $0x3  }
0x34: {  	[smem:$0x3FB6] =	sst s10  }
0x35: {  	s10 =	sld [smem:$0x3FB5];
	_ =	sdelay $0x3  }
0x36: {  	p1 =	seq.s32 s10, $0x1;
	s10 =	sld [smem:$0x3FB6];
	_ =	sdelay $0x3  }
0x37: {  	[smem:$0x3FB6] =	sst s10  }
0x38: {  	s10 =	sld [smem:$0x3FB7]  }
0x39: {  	_ = 	snop;
	(pc) =	sbr.ind lr, $3  }
0x3a: {  	_ = 	snop  }
0x3b: {  	_ = 	snop  }
0x3c: {  	p2 =	seq.s32 s10, $0x1;
	s10 =	sld [smem:$0x3FB6]  }
0x3d: {  	_ =	shalt  }
0x3e: {  	_ =	shalt  }
0x3f: {  	_ =	shalt  }
0x40: {  	_ =	shalt  }
0x41: {  	_ =	shalt  }
0x42: {  	_ =	shalt  }
0x43: {  	_ =	shalt  }
0x44: {  	_ =	shalt  }
0x45: {  	_ =	shalt  }
0x46: {  	_ =	shalt  }
0x47: {  	_ =	shalt  }
0x48: {  	_ =	shalt  }
0x49: {  	_ =	shalt  }
0x4a: {  	_ =	shalt  }
0x4b: {  	_ =	shalt  }
0x4c: {  	_ =	shalt  }
0x4d: {  	_ =	shalt  }
0x4e: {  	_ =	shalt  }
0x4f: {  	_ =	shalt  }
0x50: {  	_ =	shalt  }
0x51: {  	_ =	shalt  }
0x52: {  	_ =	shalt  }
0x53: {  	_ =	shalt  }
0x54: {  	_ =	shalt  }
0x55: {  	_ =	shalt  }
0x56: {  	_ =	shalt  }
0x57: {  	_ =	shalt  }
0x58: {  	_ =	shalt  }
0x59: {  	_ =	shalt  }
0x5a: {  	_ =	shalt  }
0x5b: {  	_ =	shalt  }
0x5c: {  	_ =	shalt  }
0x5d: {  	_ =	shalt  }
0x5e: {  	_ =	shalt  }
0x5f: {  	_ =	shalt  }
0x60: {  	_ =	shalt  }
0x61: {  	_ =	shalt  }
0x62: {  	_ =	shalt  }
0x63: {  	_ =	shalt  }
0x64: {  	_ =	shalt  }
0x65: {  	_ =	shalt  }
0x66: {  	_ =	shalt  }
0x67: {  	_ =	shalt  }
0x68: {  	_ =	shalt  }
0x69: {  	_ =	shalt  }
0x6a: {  	_ =	shalt  }
0x6b: {  	_ =	shalt  }
0x6c: {  	_ =	shalt  }
0x6d: {  	_ =	shalt  }
0x6e: {  	_ =	shalt  }
0x6f: {  	_ =	shalt  }
0x70: {  	_ =	shalt  }
0x71: {  	_ =	shalt  }
0x72: {  	_ =	shalt  }
0x73: {  	_ =	shalt  }
0x74: {  	_ =	shalt  }
0x75: {  	_ =	shalt  }
0x76: {  	_ =	shalt  }
0x77: {  	_ =	shalt  }
0x78: {  	_ =	shalt  }
0x79: {  	_ =	shalt  }
0x7a: {  	_ =	shalt  }
0x7b: {  	_ =	shalt  }
0x7c: {  	_ =	shalt  }
0x7d: {  	_ =	shalt  }
0x7e: {  	_ =	shalt  }
0x7f: {  	_ =	shalt  }
0x80: {  	_ =	shalt  }
0x81: {  	_ =	shalt  }
0x82: {  	_ =	shalt  }
0x83: {  	_ =	shalt  }
0x84: {  	_ =	shalt  }
0x85: {  	_ =	shalt  }
0x86: {  	_ =	shalt  }
0x87: {  	_ =	shalt  }
.Lfunc_end0:
.L_simem_size_0:
called_computation.2_lowered:
.L_overlay_start_0:
0x88: {  	s2 =	sld [smem:$0x3FD9]  }
0x89: {  	s3 =	sld [smem:$0x3FFE];
	_ =	sdelay $0x1  }
0x8a: {  	s1 =	srdreg.scid  }
0x8b: {  	s0 =	sand.u32 $0x1, s1  }
0x8c: {  	s17 =	sshll.u32 s0, $0xA;
	s2 =	sadd.s32 s3, s2  }
0x8d: {  	s2 =	sadd.s32 s2, s17  }
0x8e: {  	[smem:$0x3FC2] =	sst s2  }
0x8f: {  	_ = 	snop  }
0x90: {  	s2 =	sld [smem:$0x3FD0];
	(tm) =	ssettm $0x1  }
0x91: {  	s18 =	sld [smem:$0x3FFB];
	_ =	sdelay $0x3  }
0x92: {  	_ =	strace s18  }
0x93: {  	s3 =	sld [smem:$0x3FFC];
	_ =	sdelay $0x3  }
0x94: {  	_ =	strace s3  }
0x95: {  	s3 =	sld [smem:$0x3FFD];
	_ =	sdelay $0x3  }
0x96: {  	_ =	strace s3  }
0x97: {  	_ =	strace $0x8FFFFFFF  }
0x98: {  	s19 =	sld [smem:$0x3FDB];
	_ =	sdelay $0x1  }
0x99: {  	s4 =	simm.s32 $_scs_section_size  }
0x9a: {  	s5 =	simm.s32 $_size__tile_overlayer_lowered;
	s6 =	simm.s32 $_tile_overlayer_lowered  }
0x9b: {  	s22 =	simm.s32 $0x1BFF;
	s21 =	sshll.u32 s6, $0x1;
	s3 =	sadd.s32 s4, s19  }
0x9c: {  	s7 =	simm.s32 $0x0;
	s20 =	sshll.u32 s5, $0x1;
	s5 =	sadd.s32 s21, s3  }
0x9d: {  	[timem:s7], [sflag:s22] =	dma.local [hbm:s5], s20  }
0x9e: {  	_ =	swait.ge [sflag:s22], s20  }
0x9f: {  	s4 =	ssub.s32 $0x0, s20;
	[sflag:s22] =	ssyncset.done $0x0  }
0xa0: {  	[sflag:s22] =	ssyncadd.s32 s4;
	_ =	sdelay $0x1  }
0xa1: {  	s23 =	simm.s32 $0x1B8B  }
0xa2: {  	_ =	swait.ge [sflag:s23], $0x1  }
0xa3: {  	[sflag:s23] =	ssyncset.done $0x0  }
0xa4: {  	s25 =	simm.s32 $0x1B8E;
	s24 =	sld [smem:$0x3FFE];
	[sflag:s23] =	ssyncadd.s32 $0xFFFFFFFF  }
0xa5: {  	s26 =	simm.s32 $execute0_lowered;
	[smem:$0x3FD2] =	sst s25  }
0xa6: {  	s5 =	sshll.u32 s26, $0x1;
	_ =	strace $0x8000004C;
	[dreg:$0x1] =	wrdreg $0xFFFFFFFF  }
0xa7: {  	s28 =	simm.s32 $_size_execute0_lowered;
	s3 =	sadd.s32 s3, s5;
	[dreg:$0x0] =	wrdreg $0x0  }
0xa8: {  	s5 =	sshll.u32 s28, $0x1;
	[dreg:$0x2] =	wrdreg s3  }
0xa9: {  	[dreg:$0x3] =	wrdreg s5  }
0xaa: {  	[dreg:$0x4] =	wrdreg $0xC0  }
0xab: {  	_ =	task [dreg:s7], $0x5FFFF  }
0xac: {  	[dreg:$0x1] =	wrdreg $0xFFFFFFFF  }
0xad: {  	[dreg:$0x0] =	wrdreg $0x60  }
0xae: {  	[dreg:$0x2] =	wrdreg s2  }
0xaf: {  	[dreg:$0x3] =	wrdreg s24  }
0xb0: {  	[dreg:$0x4] =	wrdreg $0x7B000  }
0xb1: {  	[dreg:$0x5] =	wrdreg $0x9  }
0xb2: {  	_ =	task.clear_ibuf [dreg:s7], $0x6FFFF;
	_ =	strace $0x9000004C  }
0xb3: {  	s29 =	simm.s32 $0x9;
	_ =	strace $0x8000004E  }
0xb4: {  	_ =	swait.ge [sflag:s29], $0x1  }
0xb5: {  	[sflag:s29] =	ssyncadd.s32 $0xFFFFFFFF  }
0xb6: {  	_ =	strace $0x9000004E  }
0xb7: {  	_ =	sfence  }
0xb8: {  	s30 =	sld [smem:$0x0];
	_ =	sdelay $0x2  }
0xb9: {  	s31 =	sshll.u32 s1, $0xD;
	s1 =	sshrl.u32 s1, $0x2  }
0xba: {  	s3 =	sand.u32 $0x4000, s31;
	s1 =	sadd.s32 s1, s30  }
0xbb: {  	s0 =	sor.u32 s3, s0;
	s1 =	sshll.u32 s1, $0x11  }
0xbc: {  	s0 =	sor.u32 s1, s0  }
0xbd: {  	s0 =	sadd.s32 $0x8F2B, s0  }
0xbe: {  	[sflag:s0] =	ssyncadd.remote.s32 $0x1  }
0xbf: {  	_ =	sfence.sel $0xFFFF  }
0xc0: {  	[dreg:$0x0] =	wrdreg $0xFFFFFFFF;
	(pc) =	sbr.abs _section_cstart, $3  }
0xc1: {  	[dreg:$0x1] =	wrdreg $0xFFFFFFFF  }
0xc2: {  	_ =	task.clear_ibuf [dreg:s7], $0x2FFFF;
	_ =	strace $0x9FFFFFFF  }
0xc3: {  	(tm) =	ssettm $0x7FFFFFFF  }
tec
execute0_lowered:
.L_overlay_start_1:
0x0: {  	(tag) =	ssettag $0x1  }
0x1: {  	s1 =	rddreg [dreg:$0x0]  }
0x2: {  	s0 =	rddreg [dreg:$0x1]  }
0x3: {  	s2 =	rddreg [dreg:$0x2];
	s4 =	simm.s32 $0x0;
	s3 =	srdreg.scid  }
0x4: {  	s11 =	stileid.u32;
	s28 =	simm.s32 $0x50;
	s29 =	simm.s32 $0x8  }
0x5: {  	s30 =	simm.s32 $0x2800;
	s31 =	simm.s32 $0x9;
	s7 =	smul.u32 $0x2780, s11  }
0x6: {  	[smem:$0x7FF] =	sst s4;
	s3 =	sand.u32 $0x1, s3;
	s21 =	smul.u32 $0x4F000, s11  }
0x7: {  	s5 =	sadd.s32 $0x54000, s0;
	s10 =	sadd.s32 $0x2800, s0;
	s24 =	smul.u32 $0x2760, s11  }
0x8: {  	s25 =	sshll.u32 s11, $0x6;
	_ =	strace $0x8000004D;
	s6 =	sshll.u32 s3, $0x4  }
0x9: {  	s8 =	smul.u32 $0x27800, s3;
	[dreg:$0x8] =	wrdreg s10;
	s20 =	ssub.s32 $0x2, s3  }
0xa: {  	s3 =	smul.u32 $0x27600, s3;
	s15 =	sor.u32 $0x1C0A, s25;
	s9 =	sor.u32 s11, s6  }
0xb: {  	s6 =	sadd.s32 $0x5DE00, s0;
	s22 =	sshrl.u32 s20, $0x1;
	s23 =	sshrl.u32 s21, $0x2  }
0xc: {  	s11 =	simm.s32 $0x5;
	[dreg:$0xa] =	wrdreg s15;
	s9 =	smul.u32 $0x2760, s9  }
0xd: {  	s7 =	sadd.s32 s7, s8;
	s8 =	sadd.s32 s23, s2;
	s3 =	sadd.s32 s24, s3  }
0xe: {  	s0 =	sadd.s32 s7, s0;
	s7 =	ssub.s32 s20, s22;
	s10 =	sadd.s32 $0x190, s3  }
0xf: {  	[dreg:$0x9] =	wrdreg s8;
	s26 =	sshrl.u32 s9, $0x3;
	s17 =	sshrl.u32 s10, $0x3  }
0x10: {  	s0 =	sadd.s32 $0x67C00, s0;
	s25 =	smax.u32 s7, $0x1;
	s7 =	simm.s32 $0x2  }
0x11: {  	s10 =	simm.s32 $0x3;
	s12 =	sadd.s32 s5, s26;
	[dreg:$0x11] =	wrdreg s0  }
0x12: {  	s13 =	sadd.s32 s6, s26;
	s14 =	sadd.s32 $0xA, s26;
	[dreg:$0x12] =	wrdreg s25  }
0x13: {  	s18 =	sadd.s32 $0x14, s26;
	s19 =	sadd.s32 s17, s6;
	[dreg:$0xb] =	wrdreg s12  }
0x14: {  	s26 =	sadd.s32 $0xF0, s3;
	s25 =	simm.s32 $0x7A80;
	[dreg:$0xc] =	wrdreg s13  }
0x15: {  	s0 =	simm.s32 $0x5000;
	s16 =	sadd.s32 s5, s14;
	[dreg:$0x4] =	wrdreg s19  }
0x16: {  	s8 =	sadd.s32 s6, s14;
	s12 =	sadd.s32 $0x140, s3;
	[dreg:$0x13] =	wrdreg s26  }
0x17: {  	s21 =	sadd.s32 s5, s18;
	s23 =	sadd.s32 s6, s18;
	[dreg:$0xd] =	wrdreg s16  }
0x18: {  	s19 =	simm.s32 $0xA;
	s26 =	simm.s32 $0x7;
	[dreg:$0xe] =	wrdreg s8  }
0x19: {  	s3 =	simm.s32 $0x1;
	s13 =	simm.s32 $0x0;
	[dreg:$0xf] =	wrdreg s21  }
0x1a: {  	s8 =	sadd.s32 s17, s5;
	s20 =	sshrl.u32 s12, $0x3;
	[dreg:$0x10] =	wrdreg s23  }
0x1b: {  	s21 =	simm.s32 $0x7980;
	s23 =	simm.s32 $0x7A00;
	s12 =	simm.s32 $0x6  }
0x1c: {  	[dreg:$0x5] =	wrdreg s8;
	s22 =	sadd.s32 s20, s6;
	s24 =	sadd.s32 s20, s5  }
0x1d: {  	s20 =	simm.s32 $0x7800;
	s8 =	simm.s32 $0x4;
	[dreg:$0x6] =	wrdreg s22  }
0x1e: {  	[dreg:$0x7] =	wrdreg s24;
	s22 =	simm.s32 $0x7880;
	s24 =	simm.s32 $0x7900  }
.LBB2_1:
0x1f: {  	s9 =	rddreg [dreg:$0x9]  }
0x20: {  	s18 =	rddreg [dreg:$0x8];
	s14 =	sshrl.u32 s9, $0x3  }
0x21: {  	[spmem:s14], [sflag:s15] =	dma.local [hbm:s18], $0x2780  }
0x22: {  	_ =	swait.ge [sflag:s19], $0x2780  }
0x23: {  	[sflag:s19] =	ssyncset.done $0x0  }
0x24: {  	[sflag:s19] =	ssyncadd.s32 $0xFFFFD880  }
0x25: {  	[bflag:$0x0] =	sbarrier.arrive $0xFFFF  }
0x26: {  	s16 =	rddreg [dreg:$0xb]  }
0x27: {  	[tilespmem:s20], [sflag:$0x7] =	stream.linear.gather [hbm4b:s16+s4], $0x50, $0x38;
	[tilespmem:$0x1B700] =	vst v63  }
0x28: {  	s17 =	rddreg [dreg:$0xc]  }
0x29: {  	[tilespmem:s21], [sflag:$0x7] =	stream.linear.gather [hbm4b:s17+s4], $0x50, $0x38;
	[tilespmem:$0x1B700] =	vst v63  }
0x2a: {  	s18 =	rddreg [dreg:$0xd]  }
0x2b: {  	[tilespmem:s22], [sflag:$0x8] =	stream.linear.gather [hbm4b:s18+s4], $0x50, $0x38;
	[tilespmem:$0x1B700] =	vst v63  }
0x2c: {  	s15 =	rddreg [dreg:$0xe]  }
0x2d: {  	[tilespmem:s23], [sflag:$0x8] =	stream.linear.gather [hbm4b:s15+s4], $0x50, $0x38;
	[tilespmem:$0x1B700] =	vst v63  }
0x2e: {  	s16 =	rddreg [dreg:$0xf]  }
0x2f: {  	[tilespmem:s24], [sflag:$0x9] =	stream.linear.gather [hbm4b:s16+s4], $0x50, $0x38;
	[tilespmem:$0x1B700] =	vst v63  }
0x30: {  	s17 =	rddreg [dreg:$0x10]  }
0x31: {  	[tilespmem:s25], [sflag:$0x9] =	stream.linear.gather [hbm4b:s17+s4], $0x50, $0x38;
	[tilespmem:$0x1B700] =	vst v63  }
0x32: {  	_ =	swait.ge [sflag:s26], $0x50  }
0x33: {  	[sflag:s26] =	ssyncset.done $0x0  }
0x34: {  	[sflag:s26] =	ssyncadd.s32 $0xFFFFFFB0  }
0x35: {  	_ =	swait.ge [sflag:s26], $0x50  }
0x36: {  	[sflag:s26] =	ssyncset.done $0x0  }
0x37: {  	[sflag:s26] =	ssyncadd.s32 $0xFFFFFFB0  }
0x38: {  	[tilespmem:s4], [sflag:$0x1] =	stream.indirect.gather [hbm4b:s1+s28], $0x80, s20, s28, $0xb8;
	[tilespmem:$0x1B700] =	vst v63  }
0x39: {  	_ =	swait.ge [sflag:s29], $0x50  }
0x3a: {  	[sflag:s29] =	ssyncset.done $0x0  }
0x3b: {  	[sflag:s29] =	ssyncadd.s32 $0xFFFFFFB0  }
0x3c: {  	_ =	swait.ge [sflag:s29], $0x50  }
0x3d: {  	[sflag:s29] =	ssyncset.done $0x0  }
0x3e: {  	[sflag:s29] =	ssyncadd.s32 $0xFFFFFFB0  }
0x3f: {  	[tilespmem:s30], [sflag:$0x2] =	stream.indirect.gather [hbm4b:s1+s28], $0x80, s22, s28, $0xb8;
	[tilespmem:$0x1B700] =	vst v63  }
0x40: {  	_ =	swait.ge [sflag:s31], $0x50  }
0x41: {  	[sflag:s31] =	ssyncset.done $0x0  }
0x42: {  	[sflag:s31] =	ssyncadd.s32 $0xFFFFFFB0  }
0x43: {  	_ =	swait.ge [sflag:s31], $0x50  }
0x44: {  	[sflag:s31] =	ssyncset.done $0x0  }
0x45: {  	[sflag:s31] =	ssyncadd.s32 $0xFFFFFFB0  }
0x46: {  	[tilespmem:s0], [sflag:$0x3] =	stream.indirect.gather [hbm4b:s1+s28], $0x80, s24, s28, $0xb8;
	[tilespmem:$0x1B700] =	vst v63  }
0x47: {  	_ =	swait.ge [sflag:s3], $0x2800  }
0x48: {  	[sflag:s3] =	ssyncset.done $0x0  }
0x49: {  	[sflag:s3] =	ssyncadd.s32 $0xFFFFD800  }
0x4a: {  	[spmem:s2] =	stream.indirect.scatter.add.f32 [tilespmem:s4], [sflag:$0x4], $0x80, s21, s28, $0xb8;
	[tilespmem:$0x1B700] =	vst v63  }
0x4b: {  	_ =	swait.ge [sflag:s7], $0x2800  }
0x4c: {  	[sflag:s7] =	ssyncset.done $0x0  }
0x4d: {  	[sflag:s7] =	ssyncadd.s32 $0xFFFFD800  }
0x4e: {  	[spmem:s2] =	stream.indirect.scatter.add.f32 [tilespmem:s30], [sflag:$0x5], $0x80, s23, s28, $0xb8;
	[tilespmem:$0x1B700] =	vst v63  }
0x4f: {  	_ =	swait.ge [sflag:s8], $0x2800  }
0x50: {  	s9 =	rddreg [dreg:$0x13]  }
0x51: {  	[sflag:s8] =	ssyncset.done $0x0;
	s18 =	sshrl.u32 s9, $0x3  }
0x52: {  	[sflag:s8] =	ssyncadd.s32 $0xFFFFD800;
	s16 =	sadd.s32 s5, s18  }
0x53: {  	[tilespmem:s20], [sflag:$0x7] =	stream.linear.gather [hbm4b:s16+s4], $0x50, $0x38;
	[tilespmem:$0x1B700] =	vst v63  }
0x54: {  	s15 =	sadd.s32 s6, s18  }
0x55: {  	[tilespmem:s21], [sflag:$0x7] =	stream.linear.gather [hbm4b:s15+s4], $0x50, $0x38;
	[tilespmem:$0x1B700] =	vst v63  }
0x56: {  	_ =	swait.ge [sflag:s10], $0x2800  }
0x57: {  	[sflag:s10] =	ssyncset.done $0x0  }
0x58: {  	[sflag:s10] =	ssyncadd.s32 $0xFFFFD800  }
0x59: {  	[spmem:s2] =	stream.indirect.scatter.add.f32 [tilespmem:s0], [sflag:$0x6], $0x80, s25, s28, $0xb8;
	[tilespmem:$0x1B700] =	vst v63  }
0x5a: {  	_ =	swait.ge [sflag:s11], $0x2800  }
0x5b: {  	s16 =	rddreg [dreg:$0x7];
	[sflag:s11] =	ssyncset.done $0x0  }
0x5c: {  	s17 =	rddreg [dreg:$0x6];
	[sflag:s11] =	ssyncadd.s32 $0xFFFFD800;
	s15 =	sadd.s32 $0x0, s16  }
0x5d: {  	[tilespmem:s22], [sflag:$0x8] =	stream.linear.gather [hbm4b:s15+s4], $0x50, $0x38;
	[tilespmem:$0x1B700] =	vst v63  }
0x5e: {  	s18 =	sadd.s32 $0x0, s17  }
0x5f: {  	[tilespmem:s23], [sflag:$0x8] =	stream.linear.gather [hbm4b:s18+s4], $0x50, $0x38;
	[tilespmem:$0x1B700] =	vst v63  }
0x60: {  	_ =	swait.ge [sflag:s26], $0x50  }
0x61: {  	[sflag:s26] =	ssyncset.done $0x0  }
0x62: {  	[sflag:s26] =	ssyncadd.s32 $0xFFFFFFB0  }
0x63: {  	_ =	swait.ge [sflag:s26], $0x50  }
0x64: {  	[sflag:s26] =	ssyncset.done $0x0  }
0x65: {  	[sflag:s26] =	ssyncadd.s32 $0xFFFFFFB0  }
0x66: {  	[tilespmem:s4], [sflag:$0x1] =	stream.indirect.gather [hbm4b:s1+s28], $0x80, s20, s28, $0xb8;
	[tilespmem:$0x1B700] =	vst v63  }
0x67: {  	_ =	swait.ge [sflag:s12], $0x2800  }
0x68: {  	s16 =	rddreg [dreg:$0x5];
	[sflag:s12] =	ssyncset.done $0x0  }
0x69: {  	s17 =	rddreg [dreg:$0x4];
	[sflag:s12] =	ssyncadd.s32 $0xFFFFD800;
	s15 =	sadd.s32 $0x0, s16  }
0x6a: {  	[tilespmem:s24], [sflag:$0x9] =	stream.linear.gather [hbm4b:s15+s4], $0x50, $0x38;
	[tilespmem:$0x1B700] =	vst v63  }
0x6b: {  	s18 =	sadd.s32 $0x0, s17  }
0x6c: {  	[tilespmem:s25], [sflag:$0x9] =	stream.linear.gather [hbm4b:s18+s4], $0x50, $0x38;
	[tilespmem:$0x1B700] =	vst v63  }
0x6d: {  	_ =	swait.ge [sflag:s29], $0x50  }
0x6e: {  	[sflag:s29] =	ssyncset.done $0x0  }
0x6f: {  	[sflag:s29] =	ssyncadd.s32 $0xFFFFFFB0  }
0x70: {  	_ =	swait.ge [sflag:s29], $0x50  }
0x71: {  	[sflag:s29] =	ssyncset.done $0x0  }
0x72: {  	[sflag:s29] =	ssyncadd.s32 $0xFFFFFFB0  }
0x73: {  	[tilespmem:s30], [sflag:$0x2] =	stream.indirect.gather [hbm4b:s1+s28], $0x80, s22, s28, $0xb8;
	[tilespmem:$0x1B700] =	vst v63  }
0x74: {  	_ =	swait.ge [sflag:s31], $0x50  }
0x75: {  	[sflag:s31] =	ssyncset.done $0x0  }
0x76: {  	[sflag:s31] =	ssyncadd.s32 $0xFFFFFFB0  }
0x77: {  	_ =	swait.ge [sflag:s31], $0x50  }
0x78: {  	[sflag:s31] =	ssyncset.done $0x0  }
0x79: {  	s16 =	sadd.s32 $0xF0, s9;
	s15 =	simm.s32 $0x1E;
	[sflag:s31] =	ssyncadd.s32 $0xFFFFFFB0  }
.LBB2_2:
0x7a: {  	[tilespmem:s0], [sflag:$0x3] =	stream.indirect.gather [hbm4b:s1+s28], $0x80, s24, s28, $0xb8;
	[tilespmem:$0x1B700] =	vst v63  }
0x7b: {  	_ =	swait.ge [sflag:s3], $0x2800  }
0x7c: {  	[sflag:s3] =	ssyncset.done $0x0  }
0x7d: {  	[sflag:s3] =	ssyncadd.s32 $0xFFFFD800  }
0x7e: {  	[spmem:s2] =	stream.indirect.scatter.add.f32 [tilespmem:s4], [sflag:$0x4], $0x80, s21, s28, $0xb8;
	[tilespmem:$0x1B700] =	vst v63  }
0x7f: {  	_ =	swait.ge [sflag:s7], $0x2800  }
0x80: {  	[sflag:s7] =	ssyncset.done $0x0  }
0x81: {  	[sflag:s7] =	ssyncadd.s32 $0xFFFFD800  }
0x82: {  	[spmem:s2] =	stream.indirect.scatter.add.f32 [tilespmem:s30], [sflag:$0x5], $0x80, s23, s28, $0xb8;
	[tilespmem:$0x1B700] =	vst v63  }
0x83: {  	_ =	swait.ge [sflag:s8], $0x2800  }
0x84: {  	s9 =	sshrl.u32 s16, $0x3;
	[sflag:s8] =	ssyncset.done $0x0  }
0x85: {  	s18 =	sadd.s32 s5, s9;
	[sflag:s8] =	ssyncadd.s32 $0xFFFFD800  }
0x86: {  	[tilespmem:s20], [sflag:$0x7] =	stream.linear.gather [hbm4b:s18+s4], $0x50, $0x38;
	[tilespmem:$0x1B700] =	vst v63  }
0x87: {  	s9 =	sadd.s32 s6, s9  }
0x88: {  	[tilespmem:s21], [sflag:$0x7] =	stream.linear.gather [hbm4b:s9+s4], $0x50, $0x38;
	[tilespmem:$0x1B700] =	vst v63  }
0x89: {  	_ =	swait.ge [sflag:s10], $0x2800  }
0x8a: {  	[sflag:s10] =	ssyncset.done $0x0  }
0x8b: {  	[sflag:s10] =	ssyncadd.s32 $0xFFFFD800  }
0x8c: {  	[spmem:s2] =	stream.indirect.scatter.add.f32 [tilespmem:s0], [sflag:$0x6], $0x80, s25, s28, $0xb8;
	[tilespmem:$0x1B700] =	vst v63  }
0x8d: {  	_ =	swait.ge [sflag:s11], $0x2800  }
0x8e: {  	s17 =	smov.u32 s15;
	s9 =	rddreg [dreg:$0x7];
	[sflag:s11] =	ssyncset.done $0x0  }
0x8f: {  	s18 =	rddreg [dreg:$0x6];
	[sflag:s11] =	ssyncadd.s32 $0xFFFFD800;
	s9 =	sadd.s32 s17, s9  }
0x90: {  	[tilespmem:s22], [sflag:$0x8] =	stream.linear.gather [hbm4b:s9+s4], $0x50, $0x38;
	[tilespmem:$0x1B700] =	vst v63  }
0x91: {  	s18 =	sadd.s32 s17, s18  }
0x92: {  	[tilespmem:s23], [sflag:$0x8] =	stream.linear.gather [hbm4b:s18+s4], $0x50, $0x38;
	[tilespmem:$0x1B700] =	vst v63  }
0x93: {  	_ =	swait.ge [sflag:s26], $0x50  }
0x94: {  	[sflag:s26] =	ssyncset.done $0x0  }
0x95: {  	[sflag:s26] =	ssyncadd.s32 $0xFFFFFFB0  }
0x96: {  	_ =	swait.ge [sflag:s26], $0x50  }
0x97: {  	[sflag:s26] =	ssyncset.done $0x0  }
0x98: {  	[sflag:s26] =	ssyncadd.s32 $0xFFFFFFB0  }
0x99: {  	[tilespmem:s4], [sflag:$0x1] =	stream.indirect.gather [hbm4b:s1+s28], $0x80, s20, s28, $0xb8;
	[tilespmem:$0x1B700] =	vst v63  }
0x9a: {  	_ =	swait.ge [sflag:s12], $0x2800  }
0x9b: {  	s9 =	rddreg [dreg:$0x5];
	[sflag:s12] =	ssyncset.done $0x0  }
0x9c: {  	s18 =	rddreg [dreg:$0x4];
	[sflag:s12] =	ssyncadd.s32 $0xFFFFD800;
	s9 =	sadd.s32 s17, s9  }
0x9d: {  	[tilespmem:s24], [sflag:$0x9] =	stream.linear.gather [hbm4b:s9+s4], $0x50, $0x38;
	[tilespmem:$0x1B700] =	vst v63  }
0x9e: {  	s18 =	sadd.s32 s17, s18  }
0x9f: {  	[tilespmem:s25], [sflag:$0x9] =	stream.linear.gather [hbm4b:s18+s4], $0x50, $0x38;
	[tilespmem:$0x1B700] =	vst v63  }
0xa0: {  	_ =	swait.ge [sflag:s29], $0x50  }
0xa1: {  	[sflag:s29] =	ssyncset.done $0x0  }
0xa2: {  	[sflag:s29] =	ssyncadd.s32 $0xFFFFFFB0  }
0xa3: {  	_ =	swait.ge [sflag:s29], $0x50  }
0xa4: {  	[sflag:s29] =	ssyncset.done $0x0  }
0xa5: {  	[sflag:s29] =	ssyncadd.s32 $0xFFFFFFB0  }
0xa6: {  	[tilespmem:s30], [sflag:$0x2] =	stream.indirect.gather [hbm4b:s1+s28], $0x80, s22, s28, $0xb8;
	[tilespmem:$0x1B700] =	vst v63  }
0xa7: {  	p0 =	sne.s32 s15, $0x4B0;
	_ =	swait.ge [sflag:s31], $0x50  }
.Ltmp0:
0xa8: {  	[sflag:s31] =	ssyncset.done $0x0;
	(pc) =	sbr.rel @p0 .LBB2_2-.Ltmp0, $4  }
0xa9: {  	[sflag:s31] =	ssyncadd.s32 $0xFFFFFFB0  }
0xaa: {  	_ =	swait.ge [sflag:s31], $0x50  }
0xab: {  	[sflag:s31] =	ssyncset.done $0x0  }
0xac: {  	s15 =	sadd.s32 $0x1E, s15;
	s16 =	sadd.s32 $0xF0, s16;
	[sflag:s31] =	ssyncadd.s32 $0xFFFFFFB0  }
0xad: {  	[tilespmem:s0], [sflag:$0x3] =	stream.indirect.gather [hbm4b:s1+s28], $0x80, s24, s28, $0xb8;
	[tilespmem:$0x1B700] =	vst v63  }
0xae: {  	_ =	swait.ge [sflag:s3], $0x2800  }
0xaf: {  	[sflag:s3] =	ssyncset.done $0x0  }
0xb0: {  	[sflag:s3] =	ssyncadd.s32 $0xFFFFD800  }
0xb1: {  	[spmem:s2] =	stream.indirect.scatter.add.f32 [tilespmem:s4], [sflag:$0x4], $0x80, s21, s28, $0xb8;
	[tilespmem:$0x1B700] =	vst v63  }
0xb2: {  	_ =	swait.ge [sflag:s7], $0x2800  }
0xb3: {  	[sflag:s7] =	ssyncset.done $0x0  }
0xb4: {  	[sflag:s7] =	ssyncadd.s32 $0xFFFFD800  }
0xb5: {  	[spmem:s2] =	stream.indirect.scatter.add.f32 [tilespmem:s30], [sflag:$0x5], $0x80, s23, s28, $0xb8;
	[tilespmem:$0x1B700] =	vst v63  }
0xb6: {  	_ =	swait.ge [sflag:s10], $0x2800  }
0xb7: {  	[sflag:s10] =	ssyncset.done $0x0  }
0xb8: {  	[sflag:s10] =	ssyncadd.s32 $0xFFFFD800  }
0xb9: {  	[spmem:s2] =	stream.indirect.scatter.add.f32 [tilespmem:s0], [sflag:$0x6], $0x80, s25, s28, $0xb8;
	[tilespmem:$0x1B700] =	vst v63  }
0xba: {  	_ =	swait.ge [sflag:s8], $0x2800  }
0xbb: {  	[sflag:s8] =	ssyncset.done $0x0  }
0xbc: {  	[sflag:s8] =	ssyncadd.s32 $0xFFFFD800  }
0xbd: {  	_ =	swait.ge [sflag:s11], $0x2800  }
0xbe: {  	[sflag:s11] =	ssyncset.done $0x0  }
0xbf: {  	[sflag:s11] =	ssyncadd.s32 $0xFFFFD800  }
0xc0: {  	_ =	swait.ge [sflag:s12], $0x2800  }
0xc1: {  	[sflag:s12] =	ssyncset.done $0x0  }
0xc2: {  	[sflag:s12] =	ssyncadd.s32 $0xFFFFD800  }
0xc3: {  	[bflag:$0x0] =	sbarrier.arrive $0xFFFF  }
0xc4: {  	s15 =	rddreg [dreg:$0xa]  }
0xc5: {  	s9 =	rddreg [dreg:$0x11]  }
0xc6: {  	[hbm:s9], [sflag:s15] =	dma.local [spmem:s14], $0x2780  }
0xc7: {  	_ =	swait.ge [sflag:s19], $0x2780  }
0xc8: {  	s13 =	sadd.s32 $0x1, s13;
	s18 =	rddreg [dreg:$0x12]  }
0xc9: {  	p0 =	sne.s32 s13, s18  }
.Ltmp1:
0xca: {  	_ = 	snop;
	(pc) =	sbr.rel @p0 .LBB2_1-.Ltmp1, $3  }
0xcb: {  	_ =	sdelay $0x1  }
0xcc: {  	[sflag:s19] =	ssyncset.done $0x0  }
0xcd: {  	[sflag:s19] =	ssyncadd.s32 $0xFFFFD880  }
0xce: {  	_ =	sfence.sel $0x180000  }
0xcf: {  	[bflag:$0x0] =	sbarrier.arrive $0xFFFF  }
0xd0: {  	_ =	strace $0x9000004D  }
0xd1: {  	s0 =	stileid.u32;
	[bflag:$0x2] =	sbarrier.arrive $0xFFFF  }
0xd2: {  	p0 =	sne.s32 s0, $0x0;
	s0 =	rddreg [dreg:$0x3]  }
0xd3: {  	s0 =	sadd.s32 @!p0 $0x100000, s0  }
0xd4: {  	[sflag:s0] =	ssyncadd.tile.s32 @!p0 $0x1;
	_ =	shalt  }
.Lfunc_end2:
_tile_overlayer_lowered:
.L_overlay_start_2:
0xd5: {  	(tag) =	ssettag $0x2  }
0xd6: {  	s0 =	rddreg [dreg:$0x0];
	s2 =	stileid.u32  }
0xd7: {  	s1 =	rddreg [dreg:$0x1];
	p0 =	sne.s32 s2, $0x0  }
0xd8: {  	s3 =	rddreg [dreg:$0x2];
	[bflag:$0x3] =	sbarrier.arrive $0xFFFF;
	s2 =	simm.s32 @!p0 $0x1C0A  }
0xd9: {  	[timem:s3], [sflag:s2] =	dma.local @!p0 [hbm:s0], s1  }
0xda: {  	s0 =	simm.s32 @!p0 $0xA  }
0xdb: {  	_ =	swait.ge @!p0 [sflag:s0], s1  }
0xdc: {  	s1 =	ssub.s32 @!p0 $0x0, s1;
	[sflag:s0] =	ssyncset.done @!p0 $0x0  }
0xdd: {  	[sflag:s0] =	ssyncadd.s32 @!p0 s1  }
0xde: {  	[bflag:$0x3] =	sbarrier.arrive $0xFFFF  }
0xdf: {  	_ =	shalt  }

// kernel: kernel.8.cloned.1.call-start
scs
__scs_entry_jumppad:
0x0: {  	(pc) =	sbr.rel $0x88, $3  }
0x1: {  	(tag) =	ssettag $0x0;
	lr =	simm.s32 $0x1  }
0x2: {  	[smem:$0x3F9B] =	sst lr;
	_ =	strace $0xD0000000  }
0x3: {  	_ = 	snop  }
0x4: {  	_ = 	snop  }
0x5: {  	_ = 	snop  }
0x6: {  	_ = 	snop  }
0x7: {  	_ = 	snop  }
__scs_overlays_trampoline_lowered:
0x8: {  	[smem:$0x3FAA] =	sst s0  }
0x9: {  	[smem:$0x3FAB] =	sst s1  }
0xa: {  	[smem:$0x3FAC] =	sst s2  }
0xb: {  	[smem:$0x3FAD] =	sst s3  }
0xc: {  	[smem:$0x3FAE] =	sst s4  }
0xd: {  	[smem:$0x3FAF] =	sst s5  }
0xe: {  	[smem:$0x3FB0] =	sst s6  }
0xf: {  	[smem:$0x3FB1] =	sst s7  }
0x10: {  	[smem:$0x3FB2] =	sst s8  }
0x11: {  	[smem:$0x3FB3] =	sst s9;
	s0 =	simm.s32 @!p0 $0x0  }
0x12: {  	s1 =	sld [smem:$0x3F99];
	s0 =	simm.s32 @p0 $0x1  }
0x13: {  	[smem:$0x3FB4] =	sst s0;
	s0 =	simm.s32 @!p1 $0x0  }
0x14: {  	s2 =	sld [smem:$0x3F98];
	s0 =	simm.s32 @p1 $0x1  }
0x15: {  	[smem:$0x3FB5] =	sst s0;
	s0 =	simm.s32 @!p2 $0x0  }
0x16: {  	s3 =	sld [smem:$0x3FDB];
	s0 =	simm.s32 @p2 $0x1  }
0x17: {  	s4 =	simm.s32 $0x1BF5;
	[smem:$0x3FB7] =	sst s0  }
0x18: {  	s0 =	sld [smem:$0x3F9A];
	_ =	swait.ge [sflag:s4], $0x0  }
0x19: {  	s7 =	sld [smem:$0x3F9B]  }
0x1a: {  	s8 =	sadd.s32 $0xFFFFE003, lr  }
0x1b: {  	s9 =	sadd.s32 $0xFFFFFEF7, lr;
	s5 =	simm.s32 $0xFFFFFFFF;
	p2 =	slt.u32 s8, $0xFFFFF086  }
0x1c: {  	p1 =	slt.u32 s9, $0xF7A;
	s5 =	simm.s32 @!p2 $0x0  }
0x1d: {  	s5 =	simm.s32 @p1 $0x1;
	p0 =	seq.s32 s7, s2  }
0x1e: {  	s7 =	smul.u32 @!p0 $0xF7A, s2;
	p2 =	seq.s32 @!p0 s5, $0x0  }
0x1f: {  	s9 =	smul.u32 $0xF7A, s1;
	s8 =	simm.s32 @!p0 $0x1BF5;
	p2 =	por !p2, p0  }
0x20: {  	[sflag:s8] =	ssyncset.s32 @!p0 $0xFFFFF086;
	s6 =	sadd.s32 @!p0 s3, s7;
	s7 =	simm.s32 @!p0 $0x108  }
0x21: {  	s3 =	sadd.s32 s3, s9;
	s6 =	sadd.s32 @!p0 $0x88, s6;
	s7 =	simm.s32 @p2 $0x1082  }
0x22: {  	[simem:s7], [sflag:s8] =	dma.local @!p0 [hbm:s6], $0xF7A  }
0x23: {  	s9 =	sor.u32 $0xD0000000, s2;
	s6 =	simm.s32 $0x108;
	_ =	swait.ge @!p0 [sflag:s8], $0x0  }
0x24: {  	s3 =	sadd.s32 $0x88, s3;
	s6 =	simm.s32 @!p1 $0x1082;
	[sflag:s4] =	ssyncset.s32 $0xFFFFF086  }
0x25: {  	[simem:s6], [sflag:s4] =	dma.local [hbm:s3], $0xF7A  }
0x26: {  	[smem:$0x3F9B] =	sst s1;
	(tag) =	ssettag s2;
	_ =	strace s9  }
0x27: {  	s1 =	sld [smem:$0x3FAB]  }
0x28: {  	s2 =	sld [smem:$0x3FAC]  }
0x29: {  	s4 =	sld [smem:$0x3FAE]  }
0x2a: {  	p0 =	seq.s32 s5, $0x0;
	s5 =	sld [smem:$0x3FAF]  }
0x2b: {  	s6 =	sld [smem:$0x3FB0]  }
0x2c: {  	s7 =	sld [smem:$0x3FB1]  }
0x2d: {  	s3 =	simm.s32 $0x108;
	s8 =	sld [smem:$0x3FB2]  }
0x2e: {  	s3 =	simm.s32 @!p0 $0x1082;
	s9 =	sld [smem:$0x3FB3]  }
0x2f: {  	lr =	sadd.s32 s0, s3;
	s0 =	sld [smem:$0x3FAA]  }
0x30: {  	s3 =	sld [smem:$0x3FAD]  }
0x31: {  	[smem:$0x3FB6] =	sst s10  }
0x32: {  	s10 =	sld [smem:$0x3FB4];
	_ =	sdelay $0x3  }
0x33: {  	p0 =	seq.s32 s10, $0x1;
	s10 =	sld [smem:$0x3FB6];
	_ =	sdelay $0x3  }
0x34: {  	[smem:$0x3FB6] =	sst s10  }
0x35: {  	s10 =	sld [smem:$0x3FB5];
	_ =	sdelay $0x3  }
0x36: {  	p1 =	seq.s32 s10, $0x1;
	s10 =	sld [smem:$0x3FB6];
	_ =	sdelay $0x3  }
0x37: {  	[smem:$0x3FB6] =	sst s10  }
0x38: {  	s10 =	sld [smem:$0x3FB7]  }
0x39: {  	_ = 	snop;
	(pc) =	sbr.ind lr, $3  }
0x3a: {  	_ = 	snop  }
0x3b: {  	_ = 	snop  }
0x3c: {  	p2 =	seq.s32 s10, $0x1;
	s10 =	sld [smem:$0x3FB6]  }
0x3d: {  	_ =	shalt  }
0x3e: {  	_ =	shalt  }
0x3f: {  	_ =	shalt  }
0x40: {  	_ =	shalt  }
0x41: {  	_ =	shalt  }
0x42: {  	_ =	shalt  }
0x43: {  	_ =	shalt  }
0x44: {  	_ =	shalt  }
0x45: {  	_ =	shalt  }
0x46: {  	_ =	shalt  }
0x47: {  	_ =	shalt  }
0x48: {  	_ =	shalt  }
0x49: {  	_ =	shalt  }
0x4a: {  	_ =	shalt  }
0x4b: {  	_ =	shalt  }
0x4c: {  	_ =	shalt  }
0x4d: {  	_ =	shalt  }
0x4e: {  	_ =	shalt  }
0x4f: {  	_ =	shalt  }
0x50: {  	_ =	shalt  }
0x51: {  	_ =	shalt  }
0x52: {  	_ =	shalt  }
0x53: {  	_ =	shalt  }
0x54: {  	_ =	shalt  }
0x55: {  	_ =	shalt  }
0x56: {  	_ =	shalt  }
0x57: {  	_ =	shalt  }
0x58: {  	_ =	shalt  }
0x59: {  	_ =	shalt  }
0x5a: {  	_ =	shalt  }
0x5b: {  	_ =	shalt  }
0x5c: {  	_ =	shalt  }
0x5d: {  	_ =	shalt  }
0x5e: {  	_ =	shalt  }
0x5f: {  	_ =	shalt  }
0x60: {  	_ =	shalt  }
0x61: {  	_ =	shalt  }
0x62: {  	_ =	shalt  }
0x63: {  	_ =	shalt  }
0x64: {  	_ =	shalt  }
0x65: {  	_ =	shalt  }
0x66: {  	_ =	shalt  }
0x67: {  	_ =	shalt  }
0x68: {  	_ =	shalt  }
0x69: {  	_ =	shalt  }
0x6a: {  	_ =	shalt  }
0x6b: {  	_ =	shalt  }
0x6c: {  	_ =	shalt  }
0x6d: {  	_ =	shalt  }
0x6e: {  	_ =	shalt  }
0x6f: {  	_ =	shalt  }
0x70: {  	_ =	shalt  }
0x71: {  	_ =	shalt  }
0x72: {  	_ =	shalt  }
0x73: {  	_ =	shalt  }
0x74: {  	_ =	shalt  }
0x75: {  	_ =	shalt  }
0x76: {  	_ =	shalt  }
0x77: {  	_ =	shalt  }
0x78: {  	_ =	shalt  }
0x79: {  	_ =	shalt  }
0x7a: {  	_ =	shalt  }
0x7b: {  	_ =	shalt  }
0x7c: {  	_ =	shalt  }
0x7d: {  	_ =	shalt  }
0x7e: {  	_ =	shalt  }
0x7f: {  	_ =	shalt  }
0x80: {  	_ =	shalt  }
0x81: {  	_ =	shalt  }
0x82: {  	_ =	shalt  }
0x83: {  	_ =	shalt  }
0x84: {  	_ =	shalt  }
0x85: {  	_ =	shalt  }
0x86: {  	_ =	shalt  }
0x87: {  	_ =	shalt  }
.Lfunc_end0:
.L_simem_size_0:
called_computation_lowered:
.L_overlay_start_0:
0x88: {  	s2 =	sld [smem:$0x3FD9]  }
0x89: {  	s3 =	sld [smem:$0x3FFE];
	_ =	sdelay $0x1  }
0x8a: {  	s1 =	srdreg.scid  }
0x8b: {  	s0 =	sand.u32 $0x1, s1  }
0x8c: {  	s17 =	sshll.u32 s0, $0xA;
	s2 =	sadd.s32 s3, s2  }
0x8d: {  	s2 =	sadd.s32 s2, s17  }
0x8e: {  	[smem:$0x3FC2] =	sst s2  }
0x8f: {  	_ = 	snop  }
0x90: {  	s2 =	sld [smem:$0x3FD0];
	(tm) =	ssettm $0x1  }
0x91: {  	s18 =	sld [smem:$0x3FFB];
	_ =	sdelay $0x3  }
0x92: {  	_ =	strace s18  }
0x93: {  	s3 =	sld [smem:$0x3FFC];
	_ =	sdelay $0x3  }
0x94: {  	_ =	strace s3  }
0x95: {  	s3 =	sld [smem:$0x3FFD];
	_ =	sdelay $0x3  }
0x96: {  	_ =	strace s3  }
0x97: {  	_ =	strace $0x8FFFFFFF  }
0x98: {  	s19 =	sld [smem:$0x3FDB];
	_ =	sdelay $0x1  }
0x99: {  	s4 =	simm.s32 $_scs_section_size  }
0x9a: {  	s5 =	simm.s32 $_size__tile_overlayer_lowered;
	s6 =	simm.s32 $_tile_overlayer_lowered  }
0x9b: {  	s22 =	simm.s32 $0x1BFF;
	s21 =	sshll.u32 s6, $0x1;
	s3 =	sadd.s32 s4, s19  }
0x9c: {  	s7 =	simm.s32 $0x0;
	s20 =	sshll.u32 s5, $0x1;
	s5 =	sadd.s32 s21, s3  }
0x9d: {  	[timem:s7], [sflag:s22] =	dma.local [hbm:s5], s20  }
0x9e: {  	_ =	swait.ge [sflag:s22], s20  }
0x9f: {  	s4 =	ssub.s32 $0x0, s20;
	[sflag:s22] =	ssyncset.done $0x0  }
0xa0: {  	[sflag:s22] =	ssyncadd.s32 s4;
	_ =	sdelay $0x1  }
0xa1: {  	s23 =	simm.s32 $0x1B8B  }
0xa2: {  	_ =	swait.ge [sflag:s23], $0x1  }
0xa3: {  	[sflag:s23] =	ssyncset.done $0x0  }
0xa4: {  	s25 =	simm.s32 $0x1B8E;
	s24 =	sld [smem:$0x3FFE];
	[sflag:s23] =	ssyncadd.s32 $0xFFFFFFFF  }
0xa5: {  	s26 =	simm.s32 $execute0_lowered;
	[smem:$0x3FD2] =	sst s25  }
0xa6: {  	s5 =	sshll.u32 s26, $0x1;
	_ =	strace $0x80000046;
	[dreg:$0x1] =	wrdreg $0xFFFFFFFF  }
0xa7: {  	s28 =	simm.s32 $_size_execute0_lowered;
	s3 =	sadd.s32 s3, s5;
	[dreg:$0x0] =	wrdreg $0x0  }
0xa8: {  	s5 =	sshll.u32 s28, $0x1;
	[dreg:$0x2] =	wrdreg s3  }
0xa9: {  	[dreg:$0x3] =	wrdreg s5  }
0xaa: {  	[dreg:$0x4] =	wrdreg $0xC0  }
0xab: {  	_ =	task [dreg:s7], $0x5FFFF  }
0xac: {  	[dreg:$0x1] =	wrdreg $0xFFFFFFFF  }
0xad: {  	[dreg:$0x0] =	wrdreg $0x60  }
0xae: {  	[dreg:$0x2] =	wrdreg s2  }
0xaf: {  	[dreg:$0x3] =	wrdreg s24  }
0xb0: {  	[dreg:$0x4] =	wrdreg $0x68000  }
0xb1: {  	[dreg:$0x5] =	wrdreg $0x9  }
0xb2: {  	_ =	task.clear_ibuf [dreg:s7], $0x6FFFF;
	_ =	strace $0x90000046  }
0xb3: {  	s29 =	simm.s32 $0x9;
	_ =	strace $0x80000048  }
0xb4: {  	_ =	swait.ge [sflag:s29], $0x1  }
0xb5: {  	[sflag:s29] =	ssyncadd.s32 $0xFFFFFFFF  }
0xb6: {  	_ =	strace $0x90000048  }
0xb7: {  	_ =	sfence  }
0xb8: {  	s30 =	sld [smem:$0x0];
	_ =	sdelay $0x2  }
0xb9: {  	s31 =	sshll.u32 s1, $0xD;
	s1 =	sshrl.u32 s1, $0x2  }
0xba: {  	s3 =	sand.u32 $0x4000, s31;
	s1 =	sadd.s32 s1, s30  }
0xbb: {  	s0 =	sor.u32 s3, s0;
	s1 =	sshll.u32 s1, $0x11  }
0xbc: {  	s0 =	sor.u32 s1, s0  }
0xbd: {  	s0 =	sadd.s32 $0x8F2B, s0  }
0xbe: {  	[sflag:s0] =	ssyncadd.remote.s32 $0x1  }
0xbf: {  	_ =	sfence.sel $0xFFFF  }
0xc0: {  	[dreg:$0x0] =	wrdreg $0xFFFFFFFF;
	(pc) =	sbr.abs _section_cstart, $3  }
0xc1: {  	[dreg:$0x1] =	wrdreg $0xFFFFFFFF  }
0xc2: {  	_ =	task.clear_ibuf [dreg:s7], $0x2FFFF;
	_ =	strace $0x9FFFFFFF  }
0xc3: {  	(tm) =	ssettm $0x7FFFFFFF  }
tec
execute0_lowered:
.L_overlay_start_1:
0x0: {  	(tag) =	ssettag $0x1  }
0x1: {  	s5 =	rddreg [dreg:$0x0]  }
0x2: {  	s6 =	rddreg [dreg:$0x1]  }
0x3: {  	s2 =	rddreg [dreg:$0x2]  }
0x4: {  	s0 =	rddreg [dreg:$0x3]  }
0x5: {  	s3 =	simm.s32 $0x0;
	s4 =	srdreg.scid;
	s1 =	stileid.u32  }
0x6: {  	s12 =	simm.s32 $0x2800;
	s13 =	simm.s32 $0x1;
	[smem:$0x7FF] =	sst s3  }
0x7: {  	s7 =	sand.u32 $0x1, s4;
	s8 =	smul.u32 $0x2780, s1;
	s4 =	sadd.s32 $0x2800, s6  }
0x8: {  	s11 =	smul.u32 $0x4F000, s1;
	s31 =	sshll.u32 s1, $0x6;
	_ =	strace $0x80000047  }
0x9: {  	s9 =	smul.u32 $0x27800, s7;
	s10 =	sshll.u32 s7, $0x4;
	s7 =	ssub.s32 $0x2, s7  }
0xa: {  	s10 =	sor.u32 s1, s10;
	s29 =	sshrl.u32 s7, $0x1;
	s30 =	sshrl.u32 s11, $0x2  }
0xb: {  	s11 =	simm.s32 $0x80;
	s8 =	sadd.s32 s8, s9;
	s28 =	smul.u32 $0x500, s10  }
0xc: {  	s7 =	ssub.s32 s7, s29;
	s10 =	sadd.s32 s30, s2;
	s9 =	sor.u32 $0x1C02, s31  }
0xd: {  	s6 =	sadd.s32 s8, s6;
	s7 =	smax.u32 s7, $0x1;
	s8 =	simm.s32 $0x2  }
0xe: {  	v0 =	vimm.f32 $1.000000000e+00;
	s10 =	sshrl.u32 s10, $0x3;
	s5 =	sadd.s32 s5, s28;
	s6 =	sadd.s32 $0x5000, s6  }
.LBB2_1:
0xf: {  	s14 =	simm.s32 $0x200;
	s15 =	simm.s32 $0x0  }
.LBB2_2:
0x10: {  	p0 =	sne.s32 s14, $0xFE00;
	[tilespmem:s15+$0x2800] =	vst v0;
	s15 =	smov.u32 s14;
	s14 =	sadd.s32 $0x200, s14  }
.Ltmp0:
0x11: {  	(pc) =	sbr.rel @p0 .LBB2_2-.Ltmp0, $2  }
0x12: {  	_ =	sdelay $0x2  }
0x13: {  	s15 =	sshra.s32 s15, $0x2  }
0x14: {  	[tilespmem:s15+$0x2800] =	vst v0;
	s14 =	simm.s32 $0x0  }
0x15: {  	[tilespmem:s14], [sflag:$0x2] =	stream.linear.gather [hbm4b:s5+s14], $0x2800, $0x38;
	[tilespmem:$0x8F80] =	vst v63  }
0x16: {  	_ =	swait.ge [sflag:s8], $0x2800  }
0x17: {  	[sflag:s8] =	ssyncset.done $0x0  }
0x18: {  	[sflag:s8] =	ssyncadd.s32 $0xFFFFD800  }
0x19: {  	[spmem:s10], [sflag:s9] =	dma.local [hbm:s4], $0x2780  }
0x1a: {  	_ =	swait.ge [sflag:s8], $0x2780  }
0x1b: {  	[sflag:s8] =	ssyncset.done $0x0  }
0x1c: {  	[sflag:s8] =	ssyncadd.s32 $0xFFFFD880  }
0x1d: {  	[bflag:$0x0] =	sbarrier.arrive $0xFFFF  }
.LBB2_4:
0x1e: {  	p0 =	sne.s32 s14, $0x9C00  }
.Ltmp1:
0x1f: {  	_ = 	snop;
	(pc) =	sbr.rel @p0 .LBB2_4-.Ltmp1, $3  }
0x20: {  	_ =	sdelay $0x1  }
0x21: {  	s15 =	sshra.s32 s14, $0x2;
	s14 =	sadd.s32 $0x200, s14  }
0x22: {  	[spmem:s2] =	stream.indirect.scatter.add.f32 [tilespmem:s12], [sflag:$0x1], $0x10, s15, s11, $0xb8;
	[tilespmem:$0x8F80] =	vst v63  }
0x23: {  	_ =	swait.ge [sflag:s13], $0x800  }
0x24: {  	s14 =	simm.s32 $0x4E;
	[sflag:s13] =	ssyncset.done $0x0  }
.LBB2_6:
0x25: {  	p0 =	sne.s32 s14, $0x1;
	s14 =	sadd.s32 $0xFFFFFFFF, s14;
	[sflag:s13] =	ssyncadd.s32 $0xFFFFF800  }
.Ltmp2:
0x26: {  	(pc) =	sbr.rel @p0 .LBB2_6-.Ltmp2, $3  }
0x27: {  	_ =	sdelay $0x1  }
0x28: {  	_ =	swait.ge [sflag:s13], $0x800  }
0x29: {  	[sflag:s13] =	ssyncset.done $0x0  }
0x2a: {  	s3 =	sadd.s32 $0x1, s3  }
0x2b: {  	[sflag:s13] =	ssyncadd.s32 $0xFFFFF800;
	p0 =	sne.s32 s3, s7  }
.Ltmp3:
0x2c: {  	[bflag:$0x0] =	sbarrier.arrive $0xFFFF;
	(pc) =	sbr.rel @p0 .LBB2_1-.Ltmp3, $4  }
0x2d: {  	[hbm:s6], [sflag:s9] =	dma.local [spmem:s10], $0x2780  }
0x2e: {  	_ =	swait.ge [sflag:s8], $0x2780  }
0x2f: {  	[sflag:s8] =	ssyncset.done $0x0  }
0x30: {  	[sflag:s8] =	ssyncadd.s32 $0xFFFFD880  }
0x31: {  	_ =	sfence.sel $0x180000  }
0x32: {  	[bflag:$0x0] =	sbarrier.arrive $0xFFFF  }
0x33: {  	p0 =	sne.s32 s1, $0x0;
	_ =	strace $0x90000047  }
0x34: {  	s0 =	sadd.s32 @!p0 $0x100000, s0;
	[bflag:$0x2] =	sbarrier.arrive $0xFFFF  }
0x35: {  	[sflag:s0] =	ssyncadd.tile.s32 @!p0 $0x1;
	_ =	shalt  }
.Lfunc_end2:
_tile_overlayer_lowered:
.L_overlay_start_2:
0x36: {  	(tag) =	ssettag $0x2  }
0x37: {  	s0 =	rddreg [dreg:$0x0];
	s2 =	stileid.u32  }
0x38: {  	s1 =	rddreg [dreg:$0x1];
	p0 =	sne.s32 s2, $0x0  }
0x39: {  	s3 =	rddreg [dreg:$0x2];
	[bflag:$0x3] =	sbarrier.arrive $0xFFFF;
	s2 =	simm.s32 @!p0 $0x1C02  }
0x3a: {  	[timem:s3], [sflag:s2] =	dma.local @!p0 [hbm:s0], s1  }
0x3b: {  	s0 =	simm.s32 @!p0 $0x2  }
0x3c: {  	_ =	swait.ge @!p0 [sflag:s0], s1  }
0x3d: {  	s1 =	ssub.s32 @!p0 $0x0, s1;
	[sflag:s0] =	ssyncset.done @!p0 $0x0  }
0x3e: {  	[sflag:s0] =	ssyncadd.s32 @!p0 s1  }
0x3f: {  	[bflag:$0x3] =	sbarrier.arrive $0xFFFF  }
0x40: {  	_ =	shalt  }

</sc_bundles>
